<compile_context>
chip_gen: v7x
topology: tpu7x:2x2x1
jax: 0.10.2.dev20260603
libtpu: 0.0.44.dev20260713+nightly
codegen_flags: <defaults>
</compile_context>

<pallas_src>
import jax
import jax.numpy as jnp
from jax import lax
from jax.experimental import pallas as pl
from jax.experimental.pallas import tpu as pltpu
from jax.experimental.pallas import tpu_sc as plsc

B = 16384
NF = 26
V = 100000
D = 32
C = 16

NC = 2
NS = 16
L = 16
NW = NC * NS
RPW = (NF * D) // NW
NB = B // NW
G = 128
NG = B // G


def _tab_kernel(tab_hbm, xT_hbm, xcont_hbm, gamma_hbm, beta_hbm,
                out_hbm, parts_hbm,
                xv, gidx, sidx, gbuf, xc, xcf, pbuf, pacc, gv, bv,
                sem, sem_s):
    c = lax.axis_index("c")
    s = lax.axis_index("s")
    wid = s * NC + c

    pltpu.sync_copy(xcont_hbm.at[pl.ds(s * (NB * NC), NB * NC)], xc)

    def acc_body(i, carry):
        acc, acc2 = carry
        v = xc[i, :]
        return acc + v, acc2 + v * v

    zero = jnp.zeros((L,), jnp.float32)
    acc, acc2 = lax.fori_loop(0, NB * NC, acc_body, (zero, zero))
    pbuf[0, :] = acc
    pbuf[1, :] = acc2
    pltpu.sync_copy(pbuf, parts_hbm.at[c, s])
    plsc.subcore_barrier()

    pltpu.sync_copy(parts_hbm.at[c], pacc)
    tot = jnp.zeros((L,), jnp.float32)
    tot2 = jnp.zeros((L,), jnp.float32)
    for k in range(NS):
        tot = tot + pacc[k, 0, :]
        tot2 = tot2 + pacc[k, 1, :]
    inv_b = jnp.float32(1.0 / B)
    mean = tot * inv_b
    var = tot2 * inv_b - mean * mean
    x = var + jnp.float32(1e-5)
    i32 = lax.bitcast_convert_type(x, jnp.int32)
    i32 = jnp.int32(0x5F3759DF) - lax.shift_right_logical(i32, 1)
    y = lax.bitcast_convert_type(i32, jnp.float32)
    for _ in range(4):
        y = y * (jnp.float32(1.5) - jnp.float32(0.5) * x * y * y)
    pltpu.sync_copy(gamma_hbm, gv)
    pltpu.sync_copy(beta_hbm, bv)
    scale = gv[...] * y
    shift = bv[...] - mean * scale

    iota = lax.iota(jnp.int32, L)
    bn_base = wid * NB * (NF * D + C) + NF * D

    def bn_body(i, _):
        xcf[pl.ds(i * L, L)] = xc[c * NB + i, :] * scale + shift
        sidx[pl.ds(i * L, L)] = iota + (bn_base + i * (NF * D + C))
        return 0

    lax.fori_loop(0, NB, bn_body, 0)

    def bn_fire(g, _):
        pltpu.async_copy(xcf.at[pl.ds(g * G, G)],
                         out_hbm.at[sidx.at[pl.ds(g * G, G)]], sem_s)
        return 0

    lax.fori_loop(0, (NB * C) // G, bn_fire, 0)
    pltpu.make_async_copy(tab_hbm.at[pl.ds(0, NB * C)], xcf, sem_s).wait()

    r0 = wid * RPW
    f1 = r0 // D
    n1 = jnp.minimum(RPW, (f1 + 1) * D - r0)

    iota848 = iota * (NF * D + C)

    def row_work(t, r):
        slot = lax.rem(t, 2)

        so = slot * B

        @pl.when(t >= 2)
        def _drain():
            pltpu.make_async_copy(tab_hbm.at[pl.ds(0, B)],
                                  gbuf.at[pl.ds(so, B)], sem_s).wait()

        rv = r * V

        def idx_body(i, _):
            gidx[pl.ds(i * L, L)] = xv[pl.ds(i * L, L)] + rv
            sidx[pl.ds(so + i * L, L)] = \
                iota848 + (i * (L * (NF * D + C)) + r)
            return 0

        lax.fori_loop(0, B // L, idx_body, 0)

        def fire_body(g, _):
            pltpu.async_copy(tab_hbm.at[gidx.at[pl.ds(g * G, G)]],
                             gbuf.at[pl.ds(so + g * G, G)], sem)
            return 0

        lax.fori_loop(0, NG, fire_body, 0)
        pltpu.make_async_copy(tab_hbm.at[pl.ds(0, B)],
                              gbuf.at[pl.ds(so, B)], sem).wait()

        def scat_body(g, _):
            pltpu.async_copy(gbuf.at[pl.ds(so + g * G, G)],
                             out_hbm.at[sidx.at[pl.ds(so + g * G, G)]],
                             sem_s)
            return 0

        lax.fori_loop(0, NG, scat_body, 0)
        return 0

    def seg(f, lo, toff, n):
        @pl.when(n > 0)
        def _():
            pltpu.sync_copy(xT_hbm.at[f], xv)

            def body(k, _):
                return row_work(toff + k, lo + k)

            lax.fori_loop(0, n, body, 0)

    seg(f1, r0, 0, n1)
    seg(f1 + 1, r0 + n1, n1, RPW - n1)

    pltpu.make_async_copy(tab_hbm.at[pl.ds(0, B)],
                          gbuf.at[pl.ds(0, B)], sem_s).wait()
    pltpu.make_async_copy(tab_hbm.at[pl.ds(0, B)],
                          gbuf.at[pl.ds(B, B)], sem_s).wait()


@jax.jit
def _run(tabflat, xT, x_cont, gamma, beta):
    mesh = plsc.VectorSubcoreMesh(core_axis_name="c", subcore_axis_name="s")
    f = pl.kernel(
        _tab_kernel,
        mesh=mesh,
        compiler_params=pltpu.CompilerParams(use_tc_tiling_on_sc=False),
        out_type=[
            jax.ShapeDtypeStruct((B * (NF * D + C),), jnp.float32),
            jax.ShapeDtypeStruct((NC, NS, 2, L), jnp.float32),
        ],
        scratch_types=[
            pltpu.VMEM((B,), jnp.int32),
            pltpu.VMEM((B,), jnp.int32),
            pltpu.VMEM((2 * B,), jnp.int32),
            pltpu.VMEM((2 * B,), jnp.float32),
            pltpu.VMEM((NB * NC, C), jnp.float32),
            pltpu.VMEM((NB * C,), jnp.float32),
            pltpu.VMEM((2, L), jnp.float32),
            pltpu.VMEM((NS, 2, L), jnp.float32),
            pltpu.VMEM((L,), jnp.float32),
            pltpu.VMEM((L,), jnp.float32),
            pltpu.SemaphoreType.DMA,
            pltpu.SemaphoreType.DMA,
        ],
    )
    out, _ = f(tabflat, xT, x_cont, gamma, beta)
    return out.reshape(B, NF * D + C)


def kernel(x_cat, x_cont, emb_tables, bn_gamma, bn_beta):
    tabflat = emb_tables.transpose(0, 2, 1).reshape(NF * D * V)
    xT = x_cat.astype(jnp.int32).T
    return _run(tabflat, xT, x_cont, bn_gamma, bn_beta)

# --- scband reference (transcript-rebuilt; emitter-appended) ---
"""Pipeline reference for scband-tab-input-block-28183575396693 (READ-ONLY COPY).

The authoritative reference and input builder live on the scoring server;
editing this copy changes nothing except your own understanding.
"""

import jax, jax.numpy as jnp
import numpy as np

B = 16384
NF = 26
V = 100000
D = 32
C = 16


def setup_inputs(seed: int = 0) -> dict:
    key = jax.random.key(seed)
    k1, k2, k3 = jax.random.split(key, 3)
    x_cat = jax.random.randint(k1, (B, NF), 0, V, dtype=jnp.int64) if jax.config.jax_enable_x64 else jax.random.randint(k1, (B, NF), 0, V, dtype=jnp.int32)
    x_cont = jax.random.normal(k2, (B, C), dtype=jnp.float32)
    # 26 embedding tables, each [V, D], stacked. trunc_normal std=0.01 approximated by normal*0.01
    emb_tables = jax.random.normal(k3, (NF, V, D), dtype=jnp.float32) * 0.01
    bn_gamma = jnp.ones((C,), dtype=jnp.float32)
    bn_beta = jnp.zeros((C,), dtype=jnp.float32)
    return {"x_cat": x_cat, "x_cont": x_cont, "emb_tables": emb_tables, "bn_gamma": bn_gamma, "bn_beta": bn_beta}


def reference(x_cat, x_cont, emb_tables, bn_gamma, bn_beta):
    # embedding lookups per categorical field, then concat along feature dim
    nf = emb_tables.shape[0]
    embs = [jnp.take(emb_tables[i], x_cat[:, i], axis=0) for i in range(nf)]
    x = jnp.concatenate(embs, axis=1)  # [B, NF*D]
    # emb_drop = 0.0 -> noop
    # BatchNorm1d in training mode: batch mean / biased variance, eps=1e-5
    mean = jnp.mean(x_cont, axis=0)
    var = jnp.var(x_cont, axis=0)
    x_cont_bn = (x_cont - mean) / jnp.sqrt(var + 1e-5) * bn_gamma + bn_beta
    out = jnp.concatenate([x, x_cont_bn], axis=1)  # [B, NF*D + C]
    return out

if __name__ == "__main__":
    import jax
    _d = setup_inputs()
    print(jax.jit(kernel)(*tuple(_d.values())))

</pallas_src>

<mosaic_0001>
#map = affine_map<(d0, d1) -> (0)>
#map1 = affine_map<(d0, d1) -> (0, 0)>
#map2 = affine_map<(d0, d1) -> (0, 0, 0, 0)>
module attributes {stable_mosaic.version = 14 : i64} {
  func.func @_tab_kernel(%arg0: i32, %arg1: i32, %arg2: memref<83200000xf32, #tpu.memory_space<hbm>>, %arg3: memref<26x16384xi32, #tpu.memory_space<hbm>>, %arg4: memref<16384x16xf32, #tpu.memory_space<hbm>>, %arg5: memref<16xf32, #tpu.memory_space<hbm>>, %arg6: memref<16xf32, #tpu.memory_space<hbm>>, %arg7: memref<13893632xf32, #tpu.memory_space<hbm>>, %arg8: memref<2x16x2x16xf32, #tpu.memory_space<hbm>>, %arg9: memref<16384xi32, #tpu.memory_space<vmem>>, %arg10: memref<16384xi32, #tpu.memory_space<vmem>>, %arg11: memref<32768xi32, #tpu.memory_space<vmem>>, %arg12: memref<32768xf32, #tpu.memory_space<vmem>>, %arg13: memref<1024x16xf32, #tpu.memory_space<vmem>>, %arg14: memref<8192xf32, #tpu.memory_space<vmem>>, %arg15: memref<2x16xf32, #tpu.memory_space<vmem>>, %arg16: memref<16x2x16xf32, #tpu.memory_space<vmem>>, %arg17: memref<16xf32, #tpu.memory_space<vmem>>, %arg18: memref<16xf32, #tpu.memory_space<vmem>>, %arg19: memref<!tpu.dma_semaphore, #tpu.memory_space<semaphore_mem>>, %arg20: memref<!tpu.dma_semaphore, #tpu.memory_space<semaphore_mem>>) attributes {dimension_semantics = [#tpu.dimension_semantics<core_parallel>, #tpu.dimension_semantics<subcore_parallel>], iteration_bounds = array<i64: 2, 16>, scalar_prefetch = 0 : i64, scratch_operands = 12 : i64, tpu.core_type = #tpu.core_type<sc_vector_subcore>, window_params = [{transform_indices = #map}, {transform_indices = #map1}, {transform_indices = #map1}, {transform_indices = #map}, {transform_indices = #map}, {transform_indices = #map}, {transform_indices = #map2}]} {
    %mul3A = arith.constant 2 : i32
    %mul3A_0 = arith.muli %arg1, %mul3A : i32
    %add3A = arith.addi %mul3A_0, %arg0 : i32
    %mul3A_1 = arith.constant 1024 : i32
    %mul3A_2 = arith.muli %arg1, %mul3A_1 : i32
    "tpu.region"() ({
      %run_scoped3A = tpu.sem_alloc : memref<!tpu.dma_semaphore, #tpu.memory_space<semaphore_mem>>
      %dma_start3A = arith.constant 0 : i32
      %dma_start3A_419 = tpu.memref_slice %arg4[%mul3A_2, %dma_start3A] : memref<16384x16xf32, #tpu.memory_space<hbm>> -> memref<1024x16xf32, #tpu.memory_space<hbm>>
      %dma_start3A_420 = arith.constant 0 : i32
      %dma_start3A_421 = tpu.memref_slice %arg4[%mul3A_2, %dma_start3A_420] : memref<16384x16xf32, #tpu.memory_space<hbm>> -> memref<1024x16xf32, #tpu.memory_space<hbm>>
      tpu.enqueue_dma source(%dma_start3A_421 : memref<1024x16xf32, #tpu.memory_space<hbm>>) target(%arg13 : memref<1024x16xf32, #tpu.memory_space<vmem>>) target_semaphore(%run_scoped3A : memref<!tpu.dma_semaphore, #tpu.memory_space<semaphore_mem>>)
      %dma_wait3A_422 = arith.constant 0 : i32
      %dma_wait3A_423 = tpu.memref_slice %arg4[%mul3A_2, %dma_wait3A_422] : memref<16384x16xf32, #tpu.memory_space<hbm>> -> memref<1024x16xf32, #tpu.memory_space<hbm>>
      %dma_wait3A_424 = arith.constant 0 : i32
      %dma_wait3A_425 = tpu.memref_slice %arg4[%mul3A_2, %dma_wait3A_424] : memref<16384x16xf32, #tpu.memory_space<hbm>> -> memref<1024x16xf32, #tpu.memory_space<hbm>>
      tpu.wait_dma2 semaphore(%run_scoped3A : memref<!tpu.dma_semaphore, #tpu.memory_space<semaphore_mem>>) src(%dma_wait3A_425 : memref<1024x16xf32, #tpu.memory_space<hbm>>) dst(%arg13 : memref<1024x16xf32, #tpu.memory_space<vmem>>)
      tpu.yield
    }) : () -> ()
    %broadcast_in_dim3A = arith.constant 0.000000e+00 : f32
    %broadcast_in_dim3A_3 = vector.broadcast %broadcast_in_dim3A : f32 to vector<16xf32>
    %scan3A = arith.constant 0 : i32
    %scan3A_4 = arith.constant 1024 : i32
    %scan3A_5 = arith.addi %scan3A, %scan3A_4 : i32
    %scan3A_6 = arith.constant 1 : i32
    %scan3A_7:2 = scf.for %scan3A_419 = %scan3A to %scan3A_5 step %scan3A_6 iter_args(%scan3A_420 = %broadcast_in_dim3A_3, %scan3A_421 = %broadcast_in_dim3A_3) -> (vector<16xf32>, vector<16xf32>)  : i32 {
      %get3A_422 = arith.index_cast %scan3A_419 : i32 to index
      %get3A_423 = arith.constant 0 : index
      %get3A_424 = tpu.vector_load %arg13[%get3A_422, %get3A_423] {strides = array<i32>} : memref<1024x16xf32, #tpu.memory_space<vmem>>, vector<1x16xf32>,
      %get3A_425 = vector.shape_cast %get3A_424 : vector<1x16xf32> to vector<16xf32>
      %add3A_426 = arith.addf %scan3A_420, %get3A_425 : vector<16xf32>
      %mul3A_427 = arith.mulf %get3A_425, %get3A_425 : vector<16xf32>
      %add3A_428 = arith.addf %scan3A_421, %mul3A_427 : vector<16xf32>
      scf.yield %add3A_426, %add3A_428 : vector<16xf32>, vector<16xf32>
    }
    %scan3A_8 = arith.constant 1024 : i32
    %swap3A = arith.constant 0 : i32
    %swap3A_9 = arith.index_cast %swap3A : i32 to index
    %swap3A_10 = arith.constant 0 : index
    %swap3A_11 = tpu.vector_load %arg15[%swap3A_9, %swap3A_10] {strides = array<i32>} : memref<2x16xf32, #tpu.memory_space<vmem>>, vector<1x16xf32>,
    %swap3A_12 = vector.shape_cast %swap3A_11 : vector<1x16xf32> to vector<16xf32>
    %swap3A_13 = vector.shape_cast %scan3A_7#0 : vector<16xf32> to vector<1x16xf32>
    tpu.vector_store %arg15[%swap3A_9, %swap3A_10], %swap3A_13 {strides = array<i32>} : memref<2x16xf32, #tpu.memory_space<vmem>>, vector<1x16xf32>,
    %swap3A_14 = arith.constant 1 : i32
    %swap3A_15 = arith.index_cast %swap3A_14 : i32 to index
    %swap3A_16 = arith.constant 0 : index
    %swap3A_17 = tpu.vector_load %arg15[%swap3A_15, %swap3A_16] {strides = array<i32>} : memref<2x16xf32, #tpu.memory_space<vmem>>, vector<1x16xf32>,
    %swap3A_18 = vector.shape_cast %swap3A_17 : vector<1x16xf32> to vector<16xf32>
    %swap3A_19 = vector.shape_cast %scan3A_7#1 : vector<16xf32> to vector<1x16xf32>
    tpu.vector_store %arg15[%swap3A_15, %swap3A_16], %swap3A_19 {strides = array<i32>} : memref<2x16xf32, #tpu.memory_space<vmem>>, vector<1x16xf32>,
    "tpu.region"() ({
      %run_scoped3A = tpu.sem_alloc : memref<!tpu.dma_semaphore, #tpu.memory_space<semaphore_mem>>
      %dma_start3A = arith.constant 0 : i32
      %dma_start3A_419 = arith.constant 0 : i32
      %dma_start3A_420 = tpu.memref_slice %arg8[%arg0, %arg1, %dma_start3A, %dma_start3A_419] : memref<2x16x2x16xf32, #tpu.memory_space<hbm>> -> memref<1x1x2x16xf32, #tpu.memory_space<hbm>>
      %dma_start3A_421 = tpu.memref_squeeze %dma_start3A_420 : memref<1x1x2x16xf32, #tpu.memory_space<hbm>> -> memref<2x16xf32, #tpu.memory_space<hbm>>
      %dma_start3A_422 = arith.constant 0 : i32
      %dma_start3A_423 = arith.constant 0 : i32
      %dma_start3A_424 = tpu.memref_slice %arg8[%arg0, %arg1, %dma_start3A_422, %dma_start3A_423] : memref<2x16x2x16xf32, #tpu.memory_space<hbm>> -> memref<1x1x2x16xf32, #tpu.memory_space<hbm>>
      %dma_start3A_425 = tpu.memref_squeeze %dma_start3A_424 : memref<1x1x2x16xf32, #tpu.memory_space<hbm>> -> memref<2x16xf32, #tpu.memory_space<hbm>>
      tpu.enqueue_dma source(%arg15 : memref<2x16xf32, #tpu.memory_space<vmem>>) target(%dma_start3A_425 : memref<2x16xf32, #tpu.memory_space<hbm>>) target_semaphore(%run_scoped3A : memref<!tpu.dma_semaphore, #tpu.memory_space<semaphore_mem>>)
      %dma_wait3A_426 = arith.constant 0 : i32
      %dma_wait3A_427 = arith.constant 0 : i32
      %dma_wait3A_428 = tpu.memref_slice %arg8[%arg0, %arg1, %dma_wait3A_426, %dma_wait3A_427] : memref<2x16x2x16xf32, #tpu.memory_space<hbm>> -> memref<1x1x2x16xf32, #tpu.memory_space<hbm>>
      %dma_wait3A_429 = tpu.memref_squeeze %dma_wait3A_428 : memref<1x1x2x16xf32, #tpu.memory_space<hbm>> -> memref<2x16xf32, #tpu.memory_space<hbm>>
      %dma_wait3A_430 = arith.constant 0 : i32
      %dma_wait3A_431 = arith.constant 0 : i32
      %dma_wait3A_432 = tpu.memref_slice %arg8[%arg0, %arg1, %dma_wait3A_430, %dma_wait3A_431] : memref<2x16x2x16xf32, #tpu.memory_space<hbm>> -> memref<1x1x2x16xf32, #tpu.memory_space<hbm>>
      %dma_wait3A_433 = tpu.memref_squeeze %dma_wait3A_432 : memref<1x1x2x16xf32, #tpu.memory_space<hbm>> -> memref<2x16xf32, #tpu.memory_space<hbm>>
      tpu.wait_dma2 semaphore(%run_scoped3A : memref<!tpu.dma_semaphore, #tpu.memory_space<semaphore_mem>>) src(%arg15 : memref<2x16xf32, #tpu.memory_space<vmem>>) dst(%dma_wait3A_433 : memref<2x16xf32, #tpu.memory_space<hbm>>)
      tpu.yield
    }) : () -> ()
    %barrier3A = arith.constant 0 : index
    tpu.barrier barrier_id(%barrier3A)
    "tpu.region"() ({
      %run_scoped3A = tpu.sem_alloc : memref<!tpu.dma_semaphore, #tpu.memory_space<semaphore_mem>>
      %dma_start3A = arith.constant 0 : i32
      %dma_start3A_419 = arith.constant 0 : i32
      %dma_start3A_420 = arith.constant 0 : i32
      %dma_start3A_421 = tpu.memref_slice %arg8[%arg0, %dma_start3A, %dma_start3A_419, %dma_start3A_420] : memref<2x16x2x16xf32, #tpu.memory_space<hbm>> -> memref<1x16x2x16xf32, #tpu.memory_space<hbm>>
      %dma_start3A_422 = tpu.memref_squeeze %dma_start3A_421 : memref<1x16x2x16xf32, #tpu.memory_space<hbm>> -> memref<16x2x16xf32, #tpu.memory_space<hbm>>
      %dma_start3A_423 = arith.constant 0 : i32
      %dma_start3A_424 = arith.constant 0 : i32
      %dma_start3A_425 = arith.constant 0 : i32
      %dma_start3A_426 = tpu.memref_slice %arg8[%arg0, %dma_start3A_423, %dma_start3A_424, %dma_start3A_425] : memref<2x16x2x16xf32, #tpu.memory_space<hbm>> -> memref<1x16x2x16xf32, #tpu.memory_space<hbm>>
      %dma_start3A_427 = tpu.memref_squeeze %dma_start3A_426 : memref<1x16x2x16xf32, #tpu.memory_space<hbm>> -> memref<16x2x16xf32, #tpu.memory_space<hbm>>
      tpu.enqueue_dma source(%dma_start3A_427 : memref<16x2x16xf32, #tpu.memory_space<hbm>>) target(%arg16 : memref<16x2x16xf32, #tpu.memory_space<vmem>>) target_semaphore(%run_scoped3A : memref<!tpu.dma_semaphore, #tpu.memory_space<semaphore_mem>>)
      %dma_wait3A_428 = arith.constant 0 : i32
      %dma_wait3A_429 = arith.constant 0 : i32
      %dma_wait3A_430 = arith.constant 0 : i32
      %dma_wait3A_431 = tpu.memref_slice %arg8[%arg0, %dma_wait3A_428, %dma_wait3A_429, %dma_wait3A_430] : memref<2x16x2x16xf32, #tpu.memory_space<hbm>> -> memref<1x16x2x16xf32, #tpu.memory_space<hbm>>
      %dma_wait3A_432 = tpu.memref_squeeze %dma_wait3A_431 : memref<1x16x2x16xf32, #tpu.memory_space<hbm>> -> memref<16x2x16xf32, #tpu.memory_space<hbm>>
      %dma_wait3A_433 = arith.constant 0 : i32
      %dma_wait3A_434 = arith.constant 0 : i32
      %dma_wait3A_435 = arith.constant 0 : i32
      %dma_wait3A_436 = tpu.memref_slice %arg8[%arg0, %dma_wait3A_433, %dma_wait3A_434, %dma_wait3A_435] : memref<2x16x2x16xf32, #tpu.memory_space<hbm>> -> memref<1x16x2x16xf32, #tpu.memory_space<hbm>>
      %dma_wait3A_437 = tpu.memref_squeeze %dma_wait3A_436 : memref<1x16x2x16xf32, #tpu.memory_space<hbm>> -> memref<16x2x16xf32, #tpu.memory_space<hbm>>
      tpu.wait_dma2 semaphore(%run_scoped3A : memref<!tpu.dma_semaphore, #tpu.memory_space<semaphore_mem>>) src(%dma_wait3A_437 : memref<16x2x16xf32, #tpu.memory_space<hbm>>) dst(%arg16 : memref<16x2x16xf32, #tpu.memory_space<vmem>>)
      tpu.yield
    }) : () -> ()
    %broadcast_in_dim3A_20 = arith.constant 0.000000e+00 : f32
    %broadcast_in_dim3A_21 = vector.broadcast %broadcast_in_dim3A_20 : f32 to vector<16xf32>
    %broadcast_in_dim3A_22 = arith.constant 0.000000e+00 : f32
    %broadcast_in_dim3A_23 = vector.broadcast %broadcast_in_dim3A_22 : f32 to vector<16xf32>
    %get3A = arith.constant 0 : i32
    %get3A_24 = arith.constant 0 : i32
    %get3A_25 = arith.index_cast %get3A : i32 to index
    %get3A_26 = arith.index_cast %get3A_24 : i32 to index
    %get3A_27 = arith.constant 0 : index
    %get3A_28 = tpu.vector_load %arg16[%get3A_25, %get3A_26, %get3A_27] {strides = array<i32>} : memref<16x2x16xf32, #tpu.memory_space<vmem>>, vector<1x1x16xf32>,
    %get3A_29 = vector.shape_cast %get3A_28 : vector<1x1x16xf32> to vector<16xf32>
    %add3A_30 = arith.addf %broadcast_in_dim3A_21, %get3A_29 : vector<16xf32>
    %get3A_31 = arith.constant 0 : i32
    %get3A_32 = arith.constant 1 : i32
    %get3A_33 = arith.index_cast %get3A_31 : i32 to index
    %get3A_34 = arith.index_cast %get3A_32 : i32 to index
    %get3A_35 = arith.constant 0 : index
    %get3A_36 = tpu.vector_load %arg16[%get3A_33, %get3A_34, %get3A_35] {strides = array<i32>} : memref<16x2x16xf32, #tpu.memory_space<vmem>>, vector<1x1x16xf32>,
    %get3A_37 = vector.shape_cast %get3A_36 : vector<1x1x16xf32> to vector<16xf32>
    %add3A_38 = arith.addf %broadcast_in_dim3A_23, %get3A_37 : vector<16xf32>
    %get3A_39 = arith.constant 1 : i32
    %get3A_40 = arith.constant 0 : i32
    %get3A_41 = arith.index_cast %get3A_39 : i32 to index
    %get3A_42 = arith.index_cast %get3A_40 : i32 to index
    %get3A_43 = arith.constant 0 : index
    %get3A_44 = tpu.vector_load %arg16[%get3A_41, %get3A_42, %get3A_43] {strides = array<i32>} : memref<16x2x16xf32, #tpu.memory_space<vmem>>, vector<1x1x16xf32>,
    %get3A_45 = vector.shape_cast %get3A_44 : vector<1x1x16xf32> to vector<16xf32>
    %add3A_46 = arith.addf %add3A_30, %get3A_45 : vector<16xf32>
    %get3A_47 = arith.constant 1 : i32
    %get3A_48 = arith.constant 1 : i32
    %get3A_49 = arith.index_cast %get3A_47 : i32 to index
    %get3A_50 = arith.index_cast %get3A_48 : i32 to index
    %get3A_51 = arith.constant 0 : index
    %get3A_52 = tpu.vector_load %arg16[%get3A_49, %get3A_50, %get3A_51] {strides = array<i32>} : memref<16x2x16xf32, #tpu.memory_space<vmem>>, vector<1x1x16xf32>,
    %get3A_53 = vector.shape_cast %get3A_52 : vector<1x1x16xf32> to vector<16xf32>
    %add3A_54 = arith.addf %add3A_38, %get3A_53 : vector<16xf32>
    %get3A_55 = arith.constant 2 : i32
    %get3A_56 = arith.constant 0 : i32
    %get3A_57 = arith.index_cast %get3A_55 : i32 to index
    %get3A_58 = arith.index_cast %get3A_56 : i32 to index
    %get3A_59 = arith.constant 0 : index
    %get3A_60 = tpu.vector_load %arg16[%get3A_57, %get3A_58, %get3A_59] {strides = array<i32>} : memref<16x2x16xf32, #tpu.memory_space<vmem>>, vector<1x1x16xf32>,
    %get3A_61 = vector.shape_cast %get3A_60 : vector<1x1x16xf32> to vector<16xf32>
    %add3A_62 = arith.addf %add3A_46, %get3A_61 : vector<16xf32>
    %get3A_63 = arith.constant 2 : i32
    %get3A_64 = arith.constant 1 : i32
    %get3A_65 = arith.index_cast %get3A_63 : i32 to index
    %get3A_66 = arith.index_cast %get3A_64 : i32 to index
    %get3A_67 = arith.constant 0 : index
    %get3A_68 = tpu.vector_load %arg16[%get3A_65, %get3A_66, %get3A_67] {strides = array<i32>} : memref<16x2x16xf32, #tpu.memory_space<vmem>>, vector<1x1x16xf32>,
    %get3A_69 = vector.shape_cast %get3A_68 : vector<1x1x16xf32> to vector<16xf32>
    %add3A_70 = arith.addf %add3A_54, %get3A_69 : vector<16xf32>
    %get3A_71 = arith.constant 3 : i32
    %get3A_72 = arith.constant 0 : i32
    %get3A_73 = arith.index_cast %get3A_71 : i32 to index
    %get3A_74 = arith.index_cast %get3A_72 : i32 to index
    %get3A_75 = arith.constant 0 : index
    %get3A_76 = tpu.vector_load %arg16[%get3A_73, %get3A_74, %get3A_75] {strides = array<i32>} : memref<16x2x16xf32, #tpu.memory_space<vmem>>, vector<1x1x16xf32>,
    %get3A_77 = vector.shape_cast %get3A_76 : vector<1x1x16xf32> to vector<16xf32>
    %add3A_78 = arith.addf %add3A_62, %get3A_77 : vector<16xf32>
    %get3A_79 = arith.constant 3 : i32
    %get3A_80 = arith.constant 1 : i32
    %get3A_81 = arith.index_cast %get3A_79 : i32 to index
    %get3A_82 = arith.index_cast %get3A_80 : i32 to index
    %get3A_83 = arith.constant 0 : index
    %get3A_84 = tpu.vector_load %arg16[%get3A_81, %get3A_82, %get3A_83] {strides = array<i32>} : memref<16x2x16xf32, #tpu.memory_space<vmem>>, vector<1x1x16xf32>,
    %get3A_85 = vector.shape_cast %get3A_84 : vector<1x1x16xf32> to vector<16xf32>
    %add3A_86 = arith.addf %add3A_70, %get3A_85 : vector<16xf32>
    %get3A_87 = arith.constant 4 : i32
    %get3A_88 = arith.constant 0 : i32
    %get3A_89 = arith.index_cast %get3A_87 : i32 to index
    %get3A_90 = arith.index_cast %get3A_88 : i32 to index
    %get3A_91 = arith.constant 0 : index
    %get3A_92 = tpu.vector_load %arg16[%get3A_89, %get3A_90, %get3A_91] {strides = array<i32>} : memref<16x2x16xf32, #tpu.memory_space<vmem>>, vector<1x1x16xf32>,
    %get3A_93 = vector.shape_cast %get3A_92 : vector<1x1x16xf32> to vector<16xf32>
    %add3A_94 = arith.addf %add3A_78, %get3A_93 : vector<16xf32>
    %get3A_95 = arith.constant 4 : i32
    %get3A_96 = arith.constant 1 : i32
    %get3A_97 = arith.index_cast %get3A_95 : i32 to index
    %get3A_98 = arith.index_cast %get3A_96 : i32 to index
    %get3A_99 = arith.constant 0 : index
    %get3A_100 = tpu.vector_load %arg16[%get3A_97, %get3A_98, %get3A_99] {strides = array<i32>} : memref<16x2x16xf32, #tpu.memory_space<vmem>>, vector<1x1x16xf32>,
    %get3A_101 = vector.shape_cast %get3A_100 : vector<1x1x16xf32> to vector<16xf32>
    %add3A_102 = arith.addf %add3A_86, %get3A_101 : vector<16xf32>
    %get3A_103 = arith.constant 5 : i32
    %get3A_104 = arith.constant 0 : i32
    %get3A_105 = arith.index_cast %get3A_103 : i32 to index
    %get3A_106 = arith.index_cast %get3A_104 : i32 to index
    %get3A_107 = arith.constant 0 : index
    %get3A_108 = tpu.vector_load %arg16[%get3A_105, %get3A_106, %get3A_107] {strides = array<i32>} : memref<16x2x16xf32, #tpu.memory_space<vmem>>, vector<1x1x16xf32>,
    %get3A_109 = vector.shape_cast %get3A_108 : vector<1x1x16xf32> to vector<16xf32>
    %add3A_110 = arith.addf %add3A_94, %get3A_109 : vector<16xf32>
    %get3A_111 = arith.constant 5 : i32
    %get3A_112 = arith.constant 1 : i32
    %get3A_113 = arith.index_cast %get3A_111 : i32 to index
    %get3A_114 = arith.index_cast %get3A_112 : i32 to index
    %get3A_115 = arith.constant 0 : index
    %get3A_116 = tpu.vector_load %arg16[%get3A_113, %get3A_114, %get3A_115] {strides = array<i32>} : memref<16x2x16xf32, #tpu.memory_space<vmem>>, vector<1x1x16xf32>,
    %get3A_117 = vector.shape_cast %get3A_116 : vector<1x1x16xf32> to vector<16xf32>
    %add3A_118 = arith.addf %add3A_102, %get3A_117 : vector<16xf32>
    %get3A_119 = arith.constant 6 : i32
    %get3A_120 = arith.constant 0 : i32
    %get3A_121 = arith.index_cast %get3A_119 : i32 to index
    %get3A_122 = arith.index_cast %get3A_120 : i32 to index
    %get3A_123 = arith.constant 0 : index
    %get3A_124 = tpu.vector_load %arg16[%get3A_121, %get3A_122, %get3A_123] {strides = array<i32>} : memref<16x2x16xf32, #tpu.memory_space<vmem>>, vector<1x1x16xf32>,
    %get3A_125 = vector.shape_cast %get3A_124 : vector<1x1x16xf32> to vector<16xf32>
    %add3A_126 = arith.addf %add3A_110, %get3A_125 : vector<16xf32>
    %get3A_127 = arith.constant 6 : i32
    %get3A_128 = arith.constant 1 : i32
    %get3A_129 = arith.index_cast %get3A_127 : i32 to index
    %get3A_130 = arith.index_cast %get3A_128 : i32 to index
    %get3A_131 = arith.constant 0 : index
    %get3A_132 = tpu.vector_load %arg16[%get3A_129, %get3A_130, %get3A_131] {strides = array<i32>} : memref<16x2x16xf32, #tpu.memory_space<vmem>>, vector<1x1x16xf32>,
    %get3A_133 = vector.shape_cast %get3A_132 : vector<1x1x16xf32> to vector<16xf32>
    %add3A_134 = arith.addf %add3A_118, %get3A_133 : vector<16xf32>
    %get3A_135 = arith.constant 7 : i32
    %get3A_136 = arith.constant 0 : i32
    %get3A_137 = arith.index_cast %get3A_135 : i32 to index
    %get3A_138 = arith.index_cast %get3A_136 : i32 to index
    %get3A_139 = arith.constant 0 : index
    %get3A_140 = tpu.vector_load %arg16[%get3A_137, %get3A_138, %get3A_139] {strides = array<i32>} : memref<16x2x16xf32, #tpu.memory_space<vmem>>, vector<1x1x16xf32>,
    %get3A_141 = vector.shape_cast %get3A_140 : vector<1x1x16xf32> to vector<16xf32>
    %add3A_142 = arith.addf %add3A_126, %get3A_141 : vector<16xf32>
    %get3A_143 = arith.constant 7 : i32
    %get3A_144 = arith.constant 1 : i32
    %get3A_145 = arith.index_cast %get3A_143 : i32 to index
    %get3A_146 = arith.index_cast %get3A_144 : i32 to index
    %get3A_147 = arith.constant 0 : index
    %get3A_148 = tpu.vector_load %arg16[%get3A_145, %get3A_146, %get3A_147] {strides = array<i32>} : memref<16x2x16xf32, #tpu.memory_space<vmem>>, vector<1x1x16xf32>,
    %get3A_149 = vector.shape_cast %get3A_148 : vector<1x1x16xf32> to vector<16xf32>
    %add3A_150 = arith.addf %add3A_134, %get3A_149 : vector<16xf32>
    %get3A_151 = arith.constant 8 : i32
    %get3A_152 = arith.constant 0 : i32
    %get3A_153 = arith.index_cast %get3A_151 : i32 to index
    %get3A_154 = arith.index_cast %get3A_152 : i32 to index
    %get3A_155 = arith.constant 0 : index
    %get3A_156 = tpu.vector_load %arg16[%get3A_153, %get3A_154, %get3A_155] {strides = array<i32>} : memref<16x2x16xf32, #tpu.memory_space<vmem>>, vector<1x1x16xf32>,
    %get3A_157 = vector.shape_cast %get3A_156 : vector<1x1x16xf32> to vector<16xf32>
    %add3A_158 = arith.addf %add3A_142, %get3A_157 : vector<16xf32>
    %get3A_159 = arith.constant 8 : i32
    %get3A_160 = arith.constant 1 : i32
    %get3A_161 = arith.index_cast %get3A_159 : i32 to index
    %get3A_162 = arith.index_cast %get3A_160 : i32 to index
    %get3A_163 = arith.constant 0 : index
    %get3A_164 = tpu.vector_load %arg16[%get3A_161, %get3A_162, %get3A_163] {strides = array<i32>} : memref<16x2x16xf32, #tpu.memory_space<vmem>>, vector<1x1x16xf32>,
    %get3A_165 = vector.shape_cast %get3A_164 : vector<1x1x16xf32> to vector<16xf32>
    %add3A_166 = arith.addf %add3A_150, %get3A_165 : vector<16xf32>
    %get3A_167 = arith.constant 9 : i32
    %get3A_168 = arith.constant 0 : i32
    %get3A_169 = arith.index_cast %get3A_167 : i32 to index
    %get3A_170 = arith.index_cast %get3A_168 : i32 to index
    %get3A_171 = arith.constant 0 : index
    %get3A_172 = tpu.vector_load %arg16[%get3A_169, %get3A_170, %get3A_171] {strides = array<i32>} : memref<16x2x16xf32, #tpu.memory_space<vmem>>, vector<1x1x16xf32>,
    %get3A_173 = vector.shape_cast %get3A_172 : vector<1x1x16xf32> to vector<16xf32>
    %add3A_174 = arith.addf %add3A_158, %get3A_173 : vector<16xf32>
    %get3A_175 = arith.constant 9 : i32
    %get3A_176 = arith.constant 1 : i32
    %get3A_177 = arith.index_cast %get3A_175 : i32 to index
    %get3A_178 = arith.index_cast %get3A_176 : i32 to index
    %get3A_179 = arith.constant 0 : index
    %get3A_180 = tpu.vector_load %arg16[%get3A_177, %get3A_178, %get3A_179] {strides = array<i32>} : memref<16x2x16xf32, #tpu.memory_space<vmem>>, vector<1x1x16xf32>,
    %get3A_181 = vector.shape_cast %get3A_180 : vector<1x1x16xf32> to vector<16xf32>
    %add3A_182 = arith.addf %add3A_166, %get3A_181 : vector<16xf32>
    %get3A_183 = arith.constant 10 : i32
    %get3A_184 = arith.constant 0 : i32
    %get3A_185 = arith.index_cast %get3A_183 : i32 to index
    %get3A_186 = arith.index_cast %get3A_184 : i32 to index
    %get3A_187 = arith.constant 0 : index
    %get3A_188 = tpu.vector_load %arg16[%get3A_185, %get3A_186, %get3A_187] {strides = array<i32>} : memref<16x2x16xf32, #tpu.memory_space<vmem>>, vector<1x1x16xf32>,
    %get3A_189 = vector.shape_cast %get3A_188 : vector<1x1x16xf32> to vector<16xf32>
    %add3A_190 = arith.addf %add3A_174, %get3A_189 : vector<16xf32>
    %get3A_191 = arith.constant 10 : i32
    %get3A_192 = arith.constant 1 : i32
    %get3A_193 = arith.index_cast %get3A_191 : i32 to index
    %get3A_194 = arith.index_cast %get3A_192 : i32 to index
    %get3A_195 = arith.constant 0 : index
    %get3A_196 = tpu.vector_load %arg16[%get3A_193, %get3A_194, %get3A_195] {strides = array<i32>} : memref<16x2x16xf32, #tpu.memory_space<vmem>>, vector<1x1x16xf32>,
    %get3A_197 = vector.shape_cast %get3A_196 : vector<1x1x16xf32> to vector<16xf32>
    %add3A_198 = arith.addf %add3A_182, %get3A_197 : vector<16xf32>
    %get3A_199 = arith.constant 11 : i32
    %get3A_200 = arith.constant 0 : i32
    %get3A_201 = arith.index_cast %get3A_199 : i32 to index
    %get3A_202 = arith.index_cast %get3A_200 : i32 to index
    %get3A_203 = arith.constant 0 : index
    %get3A_204 = tpu.vector_load %arg16[%get3A_201, %get3A_202, %get3A_203] {strides = array<i32>} : memref<16x2x16xf32, #tpu.memory_space<vmem>>, vector<1x1x16xf32>,
    %get3A_205 = vector.shape_cast %get3A_204 : vector<1x1x16xf32> to vector<16xf32>
    %add3A_206 = arith.addf %add3A_190, %get3A_205 : vector<16xf32>
    %get3A_207 = arith.constant 11 : i32
    %get3A_208 = arith.constant 1 : i32
    %get3A_209 = arith.index_cast %get3A_207 : i32 to index
    %get3A_210 = arith.index_cast %get3A_208 : i32 to index
    %get3A_211 = arith.constant 0 : index
    %get3A_212 = tpu.vector_load %arg16[%get3A_209, %get3A_210, %get3A_211] {strides = array<i32>} : memref<16x2x16xf32, #tpu.memory_space<vmem>>, vector<1x1x16xf32>,
    %get3A_213 = vector.shape_cast %get3A_212 : vector<1x1x16xf32> to vector<16xf32>
    %add3A_214 = arith.addf %add3A_198, %get3A_213 : vector<16xf32>
    %get3A_215 = arith.constant 12 : i32
    %get3A_216 = arith.constant 0 : i32
    %get3A_217 = arith.index_cast %get3A_215 : i32 to index
    %get3A_218 = arith.index_cast %get3A_216 : i32 to index
    %get3A_219 = arith.constant 0 : index
    %get3A_220 = tpu.vector_load %arg16[%get3A_217, %get3A_218, %get3A_219] {strides = array<i32>} : memref<16x2x16xf32, #tpu.memory_space<vmem>>, vector<1x1x16xf32>,
    %get3A_221 = vector.shape_cast %get3A_220 : vector<1x1x16xf32> to vector<16xf32>
    %add3A_222 = arith.addf %add3A_206, %get3A_221 : vector<16xf32>
    %get3A_223 = arith.constant 12 : i32
    %get3A_224 = arith.constant 1 : i32
    %get3A_225 = arith.index_cast %get3A_223 : i32 to index
    %get3A_226 = arith.index_cast %get3A_224 : i32 to index
    %get3A_227 = arith.constant 0 : index
    %get3A_228 = tpu.vector_load %arg16[%get3A_225, %get3A_226, %get3A_227] {strides = array<i32>} : memref<16x2x16xf32, #tpu.memory_space<vmem>>, vector<1x1x16xf32>,
    %get3A_229 = vector.shape_cast %get3A_228 : vector<1x1x16xf32> to vector<16xf32>
    %add3A_230 = arith.addf %add3A_214, %get3A_229 : vector<16xf32>
    %get3A_231 = arith.constant 13 : i32
    %get3A_232 = arith.constant 0 : i32
    %get3A_233 = arith.index_cast %get3A_231 : i32 to index
    %get3A_234 = arith.index_cast %get3A_232 : i32 to index
    %get3A_235 = arith.constant 0 : index
    %get3A_236 = tpu.vector_load %arg16[%get3A_233, %get3A_234, %get3A_235] {strides = array<i32>} : memref<16x2x16xf32, #tpu.memory_space<vmem>>, vector<1x1x16xf32>,
    %get3A_237 = vector.shape_cast %get3A_236 : vector<1x1x16xf32> to vector<16xf32>
    %add3A_238 = arith.addf %add3A_222, %get3A_237 : vector<16xf32>
    %get3A_239 = arith.constant 13 : i32
    %get3A_240 = arith.constant 1 : i32
    %get3A_241 = arith.index_cast %get3A_239 : i32 to index
    %get3A_242 = arith.index_cast %get3A_240 : i32 to index
    %get3A_243 = arith.constant 0 : index
    %get3A_244 = tpu.vector_load %arg16[%get3A_241, %get3A_242, %get3A_243] {strides = array<i32>} : memref<16x2x16xf32, #tpu.memory_space<vmem>>, vector<1x1x16xf32>,
    %get3A_245 = vector.shape_cast %get3A_244 : vector<1x1x16xf32> to vector<16xf32>
    %add3A_246 = arith.addf %add3A_230, %get3A_245 : vector<16xf32>
    %get3A_247 = arith.constant 14 : i32
    %get3A_248 = arith.constant 0 : i32
    %get3A_249 = arith.index_cast %get3A_247 : i32 to index
    %get3A_250 = arith.index_cast %get3A_248 : i32 to index
    %get3A_251 = arith.constant 0 : index
    %get3A_252 = tpu.vector_load %arg16[%get3A_249, %get3A_250, %get3A_251] {strides = array<i32>} : memref<16x2x16xf32, #tpu.memory_space<vmem>>, vector<1x1x16xf32>,
    %get3A_253 = vector.shape_cast %get3A_252 : vector<1x1x16xf32> to vector<16xf32>
    %add3A_254 = arith.addf %add3A_238, %get3A_253 : vector<16xf32>
    %get3A_255 = arith.constant 14 : i32
    %get3A_256 = arith.constant 1 : i32
    %get3A_257 = arith.index_cast %get3A_255 : i32 to index
    %get3A_258 = arith.index_cast %get3A_256 : i32 to index
    %get3A_259 = arith.constant 0 : index
    %get3A_260 = tpu.vector_load %arg16[%get3A_257, %get3A_258, %get3A_259] {strides = array<i32>} : memref<16x2x16xf32, #tpu.memory_space<vmem>>, vector<1x1x16xf32>,
    %get3A_261 = vector.shape_cast %get3A_260 : vector<1x1x16xf32> to vector<16xf32>
    %add3A_262 = arith.addf %add3A_246, %get3A_261 : vector<16xf32>
    %get3A_263 = arith.constant 15 : i32
    %get3A_264 = arith.constant 0 : i32
    %get3A_265 = arith.index_cast %get3A_263 : i32 to index
    %get3A_266 = arith.index_cast %get3A_264 : i32 to index
    %get3A_267 = arith.constant 0 : index
    %get3A_268 = tpu.vector_load %arg16[%get3A_265, %get3A_266, %get3A_267] {strides = array<i32>} : memref<16x2x16xf32, #tpu.memory_space<vmem>>, vector<1x1x16xf32>,
    %get3A_269 = vector.shape_cast %get3A_268 : vector<1x1x16xf32> to vector<16xf32>
    %add3A_270 = arith.addf %add3A_254, %get3A_269 : vector<16xf32>
    %get3A_271 = arith.constant 15 : i32
    %get3A_272 = arith.constant 1 : i32
    %get3A_273 = arith.index_cast %get3A_271 : i32 to index
    %get3A_274 = arith.index_cast %get3A_272 : i32 to index
    %get3A_275 = arith.constant 0 : index
    %get3A_276 = tpu.vector_load %arg16[%get3A_273, %get3A_274, %get3A_275] {strides = array<i32>} : memref<16x2x16xf32, #tpu.memory_space<vmem>>, vector<1x1x16xf32>,
    %get3A_277 = vector.shape_cast %get3A_276 : vector<1x1x16xf32> to vector<16xf32>
    %add3A_278 = arith.addf %add3A_262, %get3A_277 : vector<16xf32>
    %mul3A_279 = arith.constant 6.10351563E-5 : f32
    %mul3A_280 = vector.broadcast %mul3A_279 : f32 to vector<16xf32>
    %mul3A_281 = arith.mulf %add3A_270, %mul3A_280 : vector<16xf32>
    %mul3A_282 = arith.constant 6.10351563E-5 : f32
    %mul3A_283 = vector.broadcast %mul3A_282 : f32 to vector<16xf32>
    %mul3A_284 = arith.mulf %add3A_278, %mul3A_283 : vector<16xf32>
    %mul3A_285 = arith.mulf %mul3A_281, %mul3A_281 : vector<16xf32>
    %sub3A = arith.subf %mul3A_284, %mul3A_285 : vector<16xf32>
    %add3A_286 = arith.constant 9.99999974E-6 : f32
    %add3A_287 = vector.broadcast %add3A_286 : f32 to vector<16xf32>
    %add3A_288 = arith.addf %sub3A, %add3A_287 : vector<16xf32>
    %bitcast_convert_type3A = tpu.bitcast %add3A_288 : vector<16xf32> -> vector<16xi32>
    %shift_right_logical3A = arith.constant 1 : i32
    %shift_right_logical3A_289 = vector.broadcast %shift_right_logical3A : i32 to vector<16xi32>
    %shift_right_logical3A_290 = arith.shrui %bitcast_convert_type3A, %shift_right_logical3A_289 : vector<16xi32>
    %sub3A_291 = arith.constant 1597463007 : i32
    %sub3A_292 = vector.broadcast %sub3A_291 : i32 to vector<16xi32>
    %sub3A_293 = arith.subi %sub3A_292, %shift_right_logical3A_290 : vector<16xi32>
    %bitcast_convert_type3A_294 = tpu.bitcast %sub3A_293 : vector<16xi32> -> vector<16xf32>
    %mul3A_295 = arith.constant 5.000000e-01 : f32
    %mul3A_296 = vector.broadcast %mul3A_295 : f32 to vector<16xf32>
    %mul3A_297 = arith.mulf %mul3A_296, %add3A_288 : vector<16xf32>
    %mul3A_298 = arith.mulf %mul3A_297, %bitcast_convert_type3A_294 : vector<16xf32>
    %mul3A_299 = arith.mulf %mul3A_298, %bitcast_convert_type3A_294 : vector<16xf32>
    %sub3A_300 = arith.constant 1.500000e+00 : f32
    %sub3A_301 = vector.broadcast %sub3A_300 : f32 to vector<16xf32>
    %sub3A_302 = arith.subf %sub3A_301, %mul3A_299 : vector<16xf32>
    %mul3A_303 = arith.mulf %bitcast_convert_type3A_294, %sub3A_302 : vector<16xf32>
    %mul3A_304 = arith.constant 5.000000e-01 : f32
    %mul3A_305 = vector.broadcast %mul3A_304 : f32 to vector<16xf32>
    %mul3A_306 = arith.mulf %mul3A_305, %add3A_288 : vector<16xf32>
    %mul3A_307 = arith.mulf %mul3A_306, %mul3A_303 : vector<16xf32>
    %mul3A_308 = arith.mulf %mul3A_307, %mul3A_303 : vector<16xf32>
    %sub3A_309 = arith.constant 1.500000e+00 : f32
    %sub3A_310 = vector.broadcast %sub3A_309 : f32 to vector<16xf32>
    %sub3A_311 = arith.subf %sub3A_310, %mul3A_308 : vector<16xf32>
    %mul3A_312 = arith.mulf %mul3A_303, %sub3A_311 : vector<16xf32>
    %mul3A_313 = arith.constant 5.000000e-01 : f32
    %mul3A_314 = vector.broadcast %mul3A_313 : f32 to vector<16xf32>
    %mul3A_315 = arith.mulf %mul3A_314, %add3A_288 : vector<16xf32>
    %mul3A_316 = arith.mulf %mul3A_315, %mul3A_312 : vector<16xf32>
    %mul3A_317 = arith.mulf %mul3A_316, %mul3A_312 : vector<16xf32>
    %sub3A_318 = arith.constant 1.500000e+00 : f32
    %sub3A_319 = vector.broadcast %sub3A_318 : f32 to vector<16xf32>
    %sub3A_320 = arith.subf %sub3A_319, %mul3A_317 : vector<16xf32>
    %mul3A_321 = arith.mulf %mul3A_312, %sub3A_320 : vector<16xf32>
    %mul3A_322 = arith.constant 5.000000e-01 : f32
    %mul3A_323 = vector.broadcast %mul3A_322 : f32 to vector<16xf32>
    %mul3A_324 = arith.mulf %mul3A_323, %add3A_288 : vector<16xf32>
    %mul3A_325 = arith.mulf %mul3A_324, %mul3A_321 : vector<16xf32>
    %mul3A_326 = arith.mulf %mul3A_325, %mul3A_321 : vector<16xf32>
    %sub3A_327 = arith.constant 1.500000e+00 : f32
    %sub3A_328 = vector.broadcast %sub3A_327 : f32 to vector<16xf32>
    %sub3A_329 = arith.subf %sub3A_328, %mul3A_326 : vector<16xf32>
    %mul3A_330 = arith.mulf %mul3A_321, %sub3A_329 : vector<16xf32>
    "tpu.region"() ({
      %run_scoped3A = tpu.sem_alloc : memref<!tpu.dma_semaphore, #tpu.memory_space<semaphore_mem>>
      tpu.enqueue_dma source(%arg5 : memref<16xf32, #tpu.memory_space<hbm>>) target(%arg17 : memref<16xf32, #tpu.memory_space<vmem>>) target_semaphore(%run_scoped3A : memref<!tpu.dma_semaphore, #tpu.memory_space<semaphore_mem>>)
      tpu.wait_dma2 semaphore(%run_scoped3A : memref<!tpu.dma_semaphore, #tpu.memory_space<semaphore_mem>>) src(%arg5 : memref<16xf32, #tpu.memory_space<hbm>>) dst(%arg17 : memref<16xf32, #tpu.memory_space<vmem>>)
      tpu.yield
    }) : () -> ()
    "tpu.region"() ({
      %run_scoped3A = tpu.sem_alloc : memref<!tpu.dma_semaphore, #tpu.memory_space<semaphore_mem>>
      tpu.enqueue_dma source(%arg6 : memref<16xf32, #tpu.memory_space<hbm>>) target(%arg18 : memref<16xf32, #tpu.memory_space<vmem>>) target_semaphore(%run_scoped3A : memref<!tpu.dma_semaphore, #tpu.memory_space<semaphore_mem>>)
      tpu.wait_dma2 semaphore(%run_scoped3A : memref<!tpu.dma_semaphore, #tpu.memory_space<semaphore_mem>>) src(%arg6 : memref<16xf32, #tpu.memory_space<hbm>>) dst(%arg18 : memref<16xf32, #tpu.memory_space<vmem>>)
      tpu.yield
    }) : () -> ()
    %get3A_331 = arith.constant 0 : index
    %get3A_332 = tpu.vector_load %arg17[%get3A_331] {strides = array<i32>} : memref<16xf32, #tpu.memory_space<vmem>>, vector<16xf32>,
    %get3A_333 = vector.shape_cast %get3A_332 : vector<16xf32> to vector<16xf32>
    %mul3A_334 = arith.mulf %get3A_333, %mul3A_330 : vector<16xf32>
    %get3A_335 = arith.constant 0 : index
    %get3A_336 = tpu.vector_load %arg18[%get3A_335] {strides = array<i32>} : memref<16xf32, #tpu.memory_space<vmem>>, vector<16xf32>,
    %get3A_337 = vector.shape_cast %get3A_336 : vector<16xf32> to vector<16xf32>
    %mul3A_338 = arith.mulf %mul3A_281, %mul3A_334 : vector<16xf32>
    %sub3A_339 = arith.subf %get3A_337, %mul3A_338 : vector<16xf32>
    %iota3A = tpu.iota {dimensions = array<i32: 0>} : vector<16xi32>
    %mul3A_340 = arith.constant 512 : i32
    %mul3A_341 = arith.muli %add3A, %mul3A_340 : i32
    %mul3A_342 = arith.constant 848 : i32
    %mul3A_343 = arith.muli %mul3A_341, %mul3A_342 : i32
    %add3A_344 = arith.constant 832 : i32
    %add3A_345 = arith.addi %mul3A_343, %add3A_344 : i32
    %scan3A_346 = arith.constant 0 : i32
    %scan3A_347 = arith.constant 0 : i32
    %scan3A_348 = arith.constant 512 : i32
    %scan3A_349 = arith.addi %scan3A_347, %scan3A_348 : i32
    %scan3A_350 = arith.constant 1 : i32
    %scan3A_351 = scf.for %scan3A_419 = %scan3A_347 to %scan3A_349 step %scan3A_350 iter_args(%scan3A_420 = %scan3A_346) -> (i32)  : i32 {
      %mul3A_421 = arith.constant 512 : i32
      %mul3A_422 = arith.muli %arg0, %mul3A_421 : i32
      %add3A_423 = arith.addi %mul3A_422, %scan3A_419 : i32
      %get3A_424 = arith.index_cast %add3A_423 : i32 to index
      %get3A_425 = arith.constant 0 : index
      %get3A_426 = tpu.vector_load %arg13[%get3A_424, %get3A_425] {strides = array<i32>} : memref<1024x16xf32, #tpu.memory_space<vmem>>, vector<1x16xf32>,
      %get3A_427 = vector.shape_cast %get3A_426 : vector<1x16xf32> to vector<16xf32>
      %mul3A_428 = arith.mulf %get3A_427, %mul3A_334 : vector<16xf32>
      %add3A_429 = arith.addf %mul3A_428, %sub3A_339 : vector<16xf32>
      %mul3A_430 = arith.constant 16 : i32
      %mul3A_431 = arith.muli %scan3A_419, %mul3A_430 : i32
      %swap3A_432 = arith.index_cast %mul3A_431 : i32 to index
      %swap3A_433 = tpu.vector_load %arg14[%swap3A_432] {strides = array<i32>} : memref<8192xf32, #tpu.memory_space<vmem>>, vector<16xf32>,
      %swap3A_434 = vector.shape_cast %swap3A_433 : vector<16xf32> to vector<16xf32>
      %swap3A_435 = vector.shape_cast %add3A_429 : vector<16xf32> to vector<16xf32>
      tpu.vector_store %arg14[%swap3A_432], %swap3A_435 {strides = array<i32>} : memref<8192xf32, #tpu.memory_space<vmem>>, vector<16xf32>,
      %mul3A_436 = arith.constant 848 : i32
      %mul3A_437 = arith.muli %scan3A_419, %mul3A_436 : i32
      %add3A_438 = arith.addi %add3A_345, %mul3A_437 : i32
      %add3A_439 = vector.broadcast %add3A_438 : i32 to vector<16xi32>
      %add3A_440 = arith.addi %iota3A, %add3A_439 : vector<16xi32>
      %mul3A_441 = arith.constant 16 : i32
      %mul3A_442 = arith.muli %scan3A_419, %mul3A_441 : i32
      %swap3A_443 = arith.index_cast %mul3A_442 : i32 to index
      %swap3A_444 = tpu.vector_load %arg11[%swap3A_443] {strides = array<i32>} : memref<32768xi32, #tpu.memory_space<vmem>>, vector<16xi32>,
      %swap3A_445 = vector.shape_cast %swap3A_444 : vector<16xi32> to vector<16xi32>
      %swap3A_446 = vector.shape_cast %add3A_440 : vector<16xi32> to vector<16xi32>
      tpu.vector_store %arg11[%swap3A_443], %swap3A_446 {strides = array<i32>} : memref<32768xi32, #tpu.memory_space<vmem>>, vector<16xi32>,
      %scan3A_447 = arith.constant 0 : i32
      scf.yield %scan3A_447 : i32
    }
    %scan3A_352 = arith.constant 512 : i32
    %scan3A_353 = arith.constant 0 : i32
    %scan3A_354 = arith.constant 0 : i32
    %scan3A_355 = arith.constant 64 : i32
    %scan3A_356 = arith.addi %scan3A_354, %scan3A_355 : i32
    %scan3A_357 = arith.constant 1 : i32
    %scan3A_358 = scf.for %scan3A_419 = %scan3A_354 to %scan3A_356 step %scan3A_357 iter_args(%scan3A_420 = %scan3A_353) -> (i32)  : i32 {
      %mul3A_421 = arith.constant 128 : i32
      %mul3A_422 = arith.muli %scan3A_419, %mul3A_421 : i32
      %mul3A_423 = arith.constant 128 : i32
      %mul3A_424 = arith.muli %scan3A_419, %mul3A_423 : i32
      %dma_start3A = tpu.memref_slice %arg14[%mul3A_422] : memref<8192xf32, #tpu.memory_space<vmem>> -> memref<128xf32, #tpu.memory_space<vmem>>
      %dma_start3A_425 = tpu.memref_slice %arg11[%mul3A_424] : memref<32768xi32, #tpu.memory_space<vmem>> -> memref<128xi32, #tpu.memory_space<vmem>>
      %dma_start3A_426 = arith.constant 0 : i32
      %dma_start3A_427 = tpu.memref_slice %arg7[%dma_start3A_426] : memref<13893632xf32, #tpu.memory_space<hbm>> -> memref<13893632xf32, #tpu.memory_space<hbm>>
      tpu.enqueue_indirect_dma source(%dma_start3A : memref<128xf32, #tpu.memory_space<vmem>>) target(%dma_start3A_427 : memref<13893632xf32, #tpu.memory_space<hbm>>) offsets(%dma_start3A_425 : memref<128xi32, #tpu.memory_space<vmem>>) semaphore(%arg20 : memref<!tpu.dma_semaphore, #tpu.memory_space<semaphore_mem>>)
      %scan3A_428 = arith.constant 0 : i32
      scf.yield %scan3A_428 : i32
    }
    %scan3A_359 = arith.constant 64 : i32
    %dma_wait3A = arith.constant 0 : i32
    %dma_wait3A_360 = tpu.memref_slice %arg2[%dma_wait3A] : memref<83200000xf32, #tpu.memory_space<hbm>> -> memref<8192xf32, #tpu.memory_space<hbm>>
    %dma_wait3A_361 = arith.constant 0 : i32
    %dma_wait3A_362 = tpu.memref_slice %arg2[%dma_wait3A_361] : memref<83200000xf32, #tpu.memory_space<hbm>> -> memref<8192xf32, #tpu.memory_space<hbm>>
    tpu.wait_dma2 semaphore(%arg20 : memref<!tpu.dma_semaphore, #tpu.memory_space<semaphore_mem>>) src(%dma_wait3A_362 : memref<8192xf32, #tpu.memory_space<hbm>>) dst(%arg14 : memref<8192xf32, #tpu.memory_space<vmem>>)
    %mul3A_363 = arith.constant 26 : i32
    %mul3A_364 = arith.muli %add3A, %mul3A_363 : i32
    %jit3A = arith.constant 32 : i32
    %div3A = arith.divsi %mul3A_364, %jit3A : i32
    %sign3A = arith.constant 0 : i32
    %sign3A_365 = arith.cmpi sgt, %mul3A_364, %sign3A : i32
    %sign3A_366 = arith.extui %sign3A_365 : i1 to i32
    %sign3A_367 = arith.constant 0 : i32
    %sign3A_368 = arith.cmpi slt, %mul3A_364, %sign3A_367 : i32
    %sign3A_369 = arith.extui %sign3A_368 : i1 to i32
    %sign3A_370 = arith.subi %sign3A_366, %sign3A_369 : i32
    %sign3A_371 = arith.constant 0 : i32
    %sign3A_372 = arith.cmpi sgt, %jit3A, %sign3A_371 : i32
    %sign3A_373 = arith.extui %sign3A_372 : i1 to i32
    %sign3A_374 = arith.constant 0 : i32
    %sign3A_375 = arith.cmpi slt, %jit3A, %sign3A_374 : i32
    %sign3A_376 = arith.extui %sign3A_375 : i1 to i32
    %sign3A_377 = arith.subi %sign3A_373, %sign3A_376 : i32
    %ne3A = arith.cmpi ne, %sign3A_370, %sign3A_377 : i32
    %rem3A = arith.remsi %mul3A_364, %jit3A : i32
    %ne3A_378 = arith.constant 0 : i32
    %ne3A_379 = arith.cmpi ne, %rem3A, %ne3A_378 : i32
    %and3A = arith.andi %ne3A, %ne3A_379 : i1
    %sub3A_380 = arith.constant 1 : i32
    %sub3A_381 = arith.subi %div3A, %sub3A_380 : i32
    %select_n3A = arith.select %and3A, %sub3A_381, %div3A : i32
    %add3A_382 = arith.constant 1 : i32
    %add3A_383 = arith.addi %select_n3A, %add3A_382 : i32
    %mul3A_384 = arith.constant 32 : i32
    %mul3A_385 = arith.muli %add3A_383, %mul3A_384 : i32
    %sub3A_386 = arith.subi %mul3A_385, %mul3A_364 : i32
    %min3A = arith.constant 26 : i32
    %min3A_387 = arith.minsi %min3A, %sub3A_386 : i32
    %mul3A_388 = arith.constant 848 : i32
    %mul3A_389 = vector.broadcast %mul3A_388 : i32 to vector<16xi32>
    %mul3A_390 = arith.muli %iota3A, %mul3A_389 : vector<16xi32>
    %gt3A = arith.constant 0 : i32
    %gt3A_391 = arith.cmpi sgt, %min3A_387, %gt3A : i32
    %convert_element_type3A = arith.extui %gt3A_391 : i1 to i32
    %cond3A = arith.constant 0 : i32
    %cond3A_392 = arith.cmpi ne, %convert_element_type3A, %cond3A : i32
    scf.if %cond3A_392 {
      "tpu.region"() ({
        %run_scoped3A = tpu.sem_alloc : memref<!tpu.dma_semaphore, #tpu.memory_space<semaphore_mem>>
        %dma_start3A = arith.constant 0 : i32
        %dma_start3A_430 = tpu.memref_slice %arg3[%select_n3A, %dma_start3A] : memref<26x16384xi32, #tpu.memory_space<hbm>> -> memref<1x16384xi32, #tpu.memory_space<hbm>>
        %dma_start3A_431 = tpu.memref_squeeze %dma_start3A_430 : memref<1x16384xi32, #tpu.memory_space<hbm>> -> memref<16384xi32, #tpu.memory_space<hbm>>
        %dma_start3A_432 = arith.constant 0 : i32
        %dma_start3A_433 = tpu.memref_slice %arg3[%select_n3A, %dma_start3A_432] : memref<26x16384xi32, #tpu.memory_space<hbm>> -> memref<1x16384xi32, #tpu.memory_space<hbm>>
        %dma_start3A_434 = tpu.memref_squeeze %dma_start3A_433 : memref<1x16384xi32, #tpu.memory_space<hbm>> -> memref<16384xi32, #tpu.memory_space<hbm>>
        tpu.enqueue_dma source(%dma_start3A_434 : memref<16384xi32, #tpu.memory_space<hbm>>) target(%arg9 : memref<16384xi32, #tpu.memory_space<vmem>>) target_semaphore(%run_scoped3A : memref<!tpu.dma_semaphore, #tpu.memory_space<semaphore_mem>>)
        %dma_wait3A_435 = arith.constant 0 : i32
        %dma_wait3A_436 = tpu.memref_slice %arg3[%select_n3A, %dma_wait3A_435] : memref<26x16384xi32, #tpu.memory_space<hbm>> -> memref<1x16384xi32, #tpu.memory_space<hbm>>
        %dma_wait3A_437 = tpu.memref_squeeze %dma_wait3A_436 : memref<1x16384xi32, #tpu.memory_space<hbm>> -> memref<16384xi32, #tpu.memory_space<hbm>>
        %dma_wait3A_438 = arith.constant 0 : i32
        %dma_wait3A_439 = tpu.memref_slice %arg3[%select_n3A, %dma_wait3A_438] : memref<26x16384xi32, #tpu.memory_space<hbm>> -> memref<1x16384xi32, #tpu.memory_space<hbm>>
        %dma_wait3A_440 = tpu.memref_squeeze %dma_wait3A_439 : memref<1x16384xi32, #tpu.memory_space<hbm>> -> memref<16384xi32, #tpu.memory_space<hbm>>
        tpu.wait_dma2 semaphore(%run_scoped3A : memref<!tpu.dma_semaphore, #tpu.memory_space<semaphore_mem>>) src(%dma_wait3A_440 : memref<16384xi32, #tpu.memory_space<hbm>>) dst(%arg9 : memref<16384xi32, #tpu.memory_space<vmem>>)
        tpu.yield
      }) : () -> ()
      %while3A = arith.constant 0 : i32
      %while3A_419 = arith.constant 0 : i32
      %while3A_420 = arith.subi %min3A_387, %while3A : i32
      %while3A_421 = arith.addi %while3A, %while3A_420 : i32
      %while3A_422 = arith.constant 1 : i32
      %while3A_423 = arith.divsi %while3A_420, %while3A_422 : i32
      %while3A_424 = arith.muli %while3A_423, %while3A_422 : i32
      %while3A_425 = arith.addi %while3A, %while3A_424 : i32
      %while3A_426 = arith.constant 1 : i32
      %while3A_427 = scf.for %while3A_430 = %while3A to %while3A_425 step %while3A_426 iter_args(%while3A_431 = %while3A_419) -> (i32)  : i32 {
        %add3A_432 = arith.constant 0 : i32
        %add3A_433 = arith.addi %add3A_432, %while3A_430 : i32
        %add3A_434 = arith.addi %mul3A_364, %while3A_430 : i32
        %rem3A_435 = arith.constant 2 : i32
        %rem3A_436 = arith.remsi %add3A_433, %rem3A_435 : i32
        %mul3A_437 = arith.constant 16384 : i32
        %mul3A_438 = arith.muli %rem3A_436, %mul3A_437 : i32
        %ge3A = arith.constant 2 : i32
        %ge3A_439 = arith.cmpi sge, %add3A_433, %ge3A : i32
        %convert_element_type3A_440 = arith.extui %ge3A_439 : i1 to i32
        %cond3A_441 = arith.constant 0 : i32
        %cond3A_442 = arith.cmpi ne, %convert_element_type3A_440, %cond3A_441 : i32
        scf.if %cond3A_442 {
          %dma_wait3A_473 = tpu.memref_slice %arg12[%mul3A_438] : memref<32768xf32, #tpu.memory_space<vmem>> -> memref<16384xf32, #tpu.memory_space<vmem>>
          %dma_wait3A_474 = arith.constant 0 : i32
          %dma_wait3A_475 = tpu.memref_slice %arg2[%dma_wait3A_474] : memref<83200000xf32, #tpu.memory_space<hbm>> -> memref<16384xf32, #tpu.memory_space<hbm>>
          %dma_wait3A_476 = tpu.memref_slice %arg12[%mul3A_438] : memref<32768xf32, #tpu.memory_space<vmem>> -> memref<16384xf32, #tpu.memory_space<vmem>>
          %dma_wait3A_477 = arith.constant 0 : i32
          %dma_wait3A_478 = tpu.memref_slice %arg2[%dma_wait3A_477] : memref<83200000xf32, #tpu.memory_space<hbm>> -> memref<16384xf32, #tpu.memory_space<hbm>>
          tpu.wait_dma2 semaphore(%arg20 : memref<!tpu.dma_semaphore, #tpu.memory_space<semaphore_mem>>) src(%dma_wait3A_478 : memref<16384xf32, #tpu.memory_space<hbm>>) dst(%dma_wait3A_476 : memref<16384xf32, #tpu.memory_space<vmem>>)
        } else {
        }
        %mul3A_443 = arith.constant 100000 : i32
        %mul3A_444 = arith.muli %add3A_434, %mul3A_443 : i32
        %scan3A_445 = arith.constant 0 : i32
        %scan3A_446 = arith.constant 0 : i32
        %scan3A_447 = arith.constant 1024 : i32
        %scan3A_448 = arith.addi %scan3A_446, %scan3A_447 : i32
        %scan3A_449 = arith.constant 1 : i32
        %scan3A_450 = scf.for %scan3A_473 = %scan3A_446 to %scan3A_448 step %scan3A_449 iter_args(%scan3A_474 = %scan3A_445) -> (i32)  : i32 {
          %mul3A_475 = arith.constant 16 : i32
          %mul3A_476 = arith.muli %scan3A_473, %mul3A_475 : i32
          %get3A_477 = arith.index_cast %mul3A_476 : i32 to index
          %get3A_478 = tpu.vector_load %arg9[%get3A_477] {strides = array<i32>} : memref<16384xi32, #tpu.memory_space<vmem>>, vector<16xi32>,
          %get3A_479 = vector.shape_cast %get3A_478 : vector<16xi32> to vector<16xi32>
          %add3A_480 = vector.broadcast %mul3A_444 : i32 to vector<16xi32>
          %add3A_481 = arith.addi %get3A_479, %add3A_480 : vector<16xi32>
          %mul3A_482 = arith.constant 16 : i32
          %mul3A_483 = arith.muli %scan3A_473, %mul3A_482 : i32
          %swap3A_484 = arith.index_cast %mul3A_483 : i32 to index
          %swap3A_485 = tpu.vector_load %arg10[%swap3A_484] {strides = array<i32>} : memref<16384xi32, #tpu.memory_space<vmem>>, vector<16xi32>,
          %swap3A_486 = vector.shape_cast %swap3A_485 : vector<16xi32> to vector<16xi32>
          %swap3A_487 = vector.shape_cast %add3A_481 : vector<16xi32> to vector<16xi32>
          tpu.vector_store %arg10[%swap3A_484], %swap3A_487 {strides = array<i32>} : memref<16384xi32, #tpu.memory_space<vmem>>, vector<16xi32>,
          %mul3A_488 = arith.constant 13568 : i32
          %mul3A_489 = arith.muli %scan3A_473, %mul3A_488 : i32
          %add3A_490 = arith.addi %mul3A_489, %add3A_434 : i32
          %add3A_491 = vector.broadcast %add3A_490 : i32 to vector<16xi32>
          %add3A_492 = arith.addi %mul3A_390, %add3A_491 : vector<16xi32>
          %mul3A_493 = arith.constant 16 : i32
          %mul3A_494 = arith.muli %scan3A_473, %mul3A_493 : i32
          %add3A_495 = arith.addi %mul3A_438, %mul3A_494 : i32
          %swap3A_496 = arith.index_cast %add3A_495 : i32 to index
          %swap3A_497 = tpu.vector_load %arg11[%swap3A_496] {strides = array<i32>} : memref<32768xi32, #tpu.memory_space<vmem>>, vector<16xi32>,
          %swap3A_498 = vector.shape_cast %swap3A_497 : vector<16xi32> to vector<16xi32>
          %swap3A_499 = vector.shape_cast %add3A_492 : vector<16xi32> to vector<16xi32>
          tpu.vector_store %arg11[%swap3A_496], %swap3A_499 {strides = array<i32>} : memref<32768xi32, #tpu.memory_space<vmem>>, vector<16xi32>,
          %scan3A_500 = arith.constant 0 : i32
          scf.yield %scan3A_500 : i32
        }
        %scan3A_451 = arith.constant 1024 : i32
        %scan3A_452 = arith.constant 0 : i32
        %scan3A_453 = arith.constant 0 : i32
        %scan3A_454 = arith.constant 128 : i32
        %scan3A_455 = arith.addi %scan3A_453, %scan3A_454 : i32
        %scan3A_456 = arith.constant 1 : i32
        %scan3A_457 = scf.for %scan3A_473 = %scan3A_453 to %scan3A_455 step %scan3A_456 iter_args(%scan3A_474 = %scan3A_452) -> (i32)  : i32 {
          %mul3A_475 = arith.constant 128 : i32
          %mul3A_476 = arith.muli %scan3A_473, %mul3A_475 : i32
          %mul3A_477 = arith.constant 128 : i32
          %mul3A_478 = arith.muli %scan3A_473, %mul3A_477 : i32
          %add3A_479 = arith.addi %mul3A_438, %mul3A_478 : i32
          %dma_start3A = tpu.memref_slice %arg12[%add3A_479] : memref<32768xf32, #tpu.memory_space<vmem>> -> memref<128xf32, #tpu.memory_space<vmem>>
          %dma_start3A_480 = tpu.memref_slice %arg10[%mul3A_476] : memref<16384xi32, #tpu.memory_space<vmem>> -> memref<128xi32, #tpu.memory_space<vmem>>
          %dma_start3A_481 = arith.constant 0 : i32
          %dma_start3A_482 = tpu.memref_slice %arg2[%dma_start3A_481] : memref<83200000xf32, #tpu.memory_space<hbm>> -> memref<83200000xf32, #tpu.memory_space<hbm>>
          tpu.enqueue_indirect_dma source(%dma_start3A_482 : memref<83200000xf32, #tpu.memory_space<hbm>>) target(%dma_start3A : memref<128xf32, #tpu.memory_space<vmem>>) offsets(%dma_start3A_480 : memref<128xi32, #tpu.memory_space<vmem>>) semaphore(%arg19 : memref<!tpu.dma_semaphore, #tpu.memory_space<semaphore_mem>>)
          %scan3A_483 = arith.constant 0 : i32
          scf.yield %scan3A_483 : i32
        }
        %scan3A_458 = arith.constant 128 : i32
        %dma_wait3A_459 = tpu.memref_slice %arg12[%mul3A_438] : memref<32768xf32, #tpu.memory_space<vmem>> -> memref<16384xf32, #tpu.memory_space<vmem>>
        %dma_wait3A_460 = arith.constant 0 : i32
        %dma_wait3A_461 = tpu.memref_slice %arg2[%dma_wait3A_460] : memref<83200000xf32, #tpu.memory_space<hbm>> -> memref<16384xf32, #tpu.memory_space<hbm>>
        %dma_wait3A_462 = tpu.memref_slice %arg12[%mul3A_438] : memref<32768xf32, #tpu.memory_space<vmem>> -> memref<16384xf32, #tpu.memory_space<vmem>>
        %dma_wait3A_463 = arith.constant 0 : i32
        %dma_wait3A_464 = tpu.memref_slice %arg2[%dma_wait3A_463] : memref<83200000xf32, #tpu.memory_space<hbm>> -> memref<16384xf32, #tpu.memory_space<hbm>>
        tpu.wait_dma2 semaphore(%arg19 : memref<!tpu.dma_semaphore, #tpu.memory_space<semaphore_mem>>) src(%dma_wait3A_464 : memref<16384xf32, #tpu.memory_space<hbm>>) dst(%dma_wait3A_462 : memref<16384xf32, #tpu.memory_space<vmem>>)
        %scan3A_465 = arith.constant 0 : i32
        %scan3A_466 = arith.constant 0 : i32
        %scan3A_467 = arith.constant 128 : i32
        %scan3A_468 = arith.addi %scan3A_466, %scan3A_467 : i32
        %scan3A_469 = arith.constant 1 : i32
        %scan3A_470 = scf.for %scan3A_473 = %scan3A_466 to %scan3A_468 step %scan3A_469 iter_args(%scan3A_474 = %scan3A_465) -> (i32)  : i32 {
          %mul3A_475 = arith.constant 128 : i32
          %mul3A_476 = arith.muli %scan3A_473, %mul3A_475 : i32
          %add3A_477 = arith.addi %mul3A_438, %mul3A_476 : i32
          %mul3A_478 = arith.constant 128 : i32
          %mul3A_479 = arith.muli %scan3A_473, %mul3A_478 : i32
          %add3A_480 = arith.addi %mul3A_438, %mul3A_479 : i32
          %dma_start3A = tpu.memref_slice %arg12[%add3A_477] : memref<32768xf32, #tpu.memory_space<vmem>> -> memref<128xf32, #tpu.memory_space<vmem>>
          %dma_start3A_481 = tpu.memref_slice %arg11[%add3A_480] : memref<32768xi32, #tpu.memory_space<vmem>> -> memref<128xi32, #tpu.memory_space<vmem>>
          %dma_start3A_482 = arith.constant 0 : i32
          %dma_start3A_483 = tpu.memref_slice %arg7[%dma_start3A_482] : memref<13893632xf32, #tpu.memory_space<hbm>> -> memref<13893632xf32, #tpu.memory_space<hbm>>
          tpu.enqueue_indirect_dma source(%dma_start3A : memref<128xf32, #tpu.memory_space<vmem>>) target(%dma_start3A_483 : memref<13893632xf32, #tpu.memory_space<hbm>>) offsets(%dma_start3A_481 : memref<128xi32, #tpu.memory_space<vmem>>) semaphore(%arg20 : memref<!tpu.dma_semaphore, #tpu.memory_space<semaphore_mem>>)
          %scan3A_484 = arith.constant 0 : i32
          scf.yield %scan3A_484 : i32
        }
        %scan3A_471 = arith.constant 128 : i32
        %while3A_472 = arith.constant 0 : i32
        scf.yield %while3A_472 : i32
      }
      %while3A_428 = arith.constant 1 : i32
      %while3A_429 = scf.for %while3A_430 = %while3A_425 to %while3A_421 step %while3A_428 iter_args(%while3A_431 = %while3A_427) -> (i32)  : i32 {
        %add3A_432 = arith.constant 0 : i32
        %add3A_433 = arith.addi %add3A_432, %while3A_430 : i32
        %add3A_434 = arith.addi %mul3A_364, %while3A_430 : i32
        %rem3A_435 = arith.constant 2 : i32
        %rem3A_436 = arith.remsi %add3A_433, %rem3A_435 : i32
        %mul3A_437 = arith.constant 16384 : i32
        %mul3A_438 = arith.muli %rem3A_436, %mul3A_437 : i32
        %ge3A = arith.constant 2 : i32
        %ge3A_439 = arith.cmpi sge, %add3A_433, %ge3A : i32
        %convert_element_type3A_440 = arith.extui %ge3A_439 : i1 to i32
        %cond3A_441 = arith.constant 0 : i32
        %cond3A_442 = arith.cmpi ne, %convert_element_type3A_440, %cond3A_441 : i32
        scf.if %cond3A_442 {
          %dma_wait3A_473 = tpu.memref_slice %arg12[%mul3A_438] : memref<32768xf32, #tpu.memory_space<vmem>> -> memref<16384xf32, #tpu.memory_space<vmem>>
          %dma_wait3A_474 = arith.constant 0 : i32
          %dma_wait3A_475 = tpu.memref_slice %arg2[%dma_wait3A_474] : memref<83200000xf32, #tpu.memory_space<hbm>> -> memref<16384xf32, #tpu.memory_space<hbm>>
          %dma_wait3A_476 = tpu.memref_slice %arg12[%mul3A_438] : memref<32768xf32, #tpu.memory_space<vmem>> -> memref<16384xf32, #tpu.memory_space<vmem>>
          %dma_wait3A_477 = arith.constant 0 : i32
          %dma_wait3A_478 = tpu.memref_slice %arg2[%dma_wait3A_477] : memref<83200000xf32, #tpu.memory_space<hbm>> -> memref<16384xf32, #tpu.memory_space<hbm>>
          tpu.wait_dma2 semaphore(%arg20 : memref<!tpu.dma_semaphore, #tpu.memory_space<semaphore_mem>>) src(%dma_wait3A_478 : memref<16384xf32, #tpu.memory_space<hbm>>) dst(%dma_wait3A_476 : memref<16384xf32, #tpu.memory_space<vmem>>)
        } else {
        }
        %mul3A_443 = arith.constant 100000 : i32
        %mul3A_444 = arith.muli %add3A_434, %mul3A_443 : i32
        %scan3A_445 = arith.constant 0 : i32
        %scan3A_446 = arith.constant 0 : i32
        %scan3A_447 = arith.constant 1024 : i32
        %scan3A_448 = arith.addi %scan3A_446, %scan3A_447 : i32
        %scan3A_449 = arith.constant 1 : i32
        %scan3A_450 = scf.for %scan3A_473 = %scan3A_446 to %scan3A_448 step %scan3A_449 iter_args(%scan3A_474 = %scan3A_445) -> (i32)  : i32 {
          %mul3A_475 = arith.constant 16 : i32
          %mul3A_476 = arith.muli %scan3A_473, %mul3A_475 : i32
          %get3A_477 = arith.index_cast %mul3A_476 : i32 to index
          %get3A_478 = tpu.vector_load %arg9[%get3A_477] {strides = array<i32>} : memref<16384xi32, #tpu.memory_space<vmem>>, vector<16xi32>,
          %get3A_479 = vector.shape_cast %get3A_478 : vector<16xi32> to vector<16xi32>
          %add3A_480 = vector.broadcast %mul3A_444 : i32 to vector<16xi32>
          %add3A_481 = arith.addi %get3A_479, %add3A_480 : vector<16xi32>
          %mul3A_482 = arith.constant 16 : i32
          %mul3A_483 = arith.muli %scan3A_473, %mul3A_482 : i32
          %swap3A_484 = arith.index_cast %mul3A_483 : i32 to index
          %swap3A_485 = tpu.vector_load %arg10[%swap3A_484] {strides = array<i32>} : memref<16384xi32, #tpu.memory_space<vmem>>, vector<16xi32>,
          %swap3A_486 = vector.shape_cast %swap3A_485 : vector<16xi32> to vector<16xi32>
          %swap3A_487 = vector.shape_cast %add3A_481 : vector<16xi32> to vector<16xi32>
          tpu.vector_store %arg10[%swap3A_484], %swap3A_487 {strides = array<i32>} : memref<16384xi32, #tpu.memory_space<vmem>>, vector<16xi32>,
          %mul3A_488 = arith.constant 13568 : i32
          %mul3A_489 = arith.muli %scan3A_473, %mul3A_488 : i32
          %add3A_490 = arith.addi %mul3A_489, %add3A_434 : i32
          %add3A_491 = vector.broadcast %add3A_490 : i32 to vector<16xi32>
          %add3A_492 = arith.addi %mul3A_390, %add3A_491 : vector<16xi32>
          %mul3A_493 = arith.constant 16 : i32
          %mul3A_494 = arith.muli %scan3A_473, %mul3A_493 : i32
          %add3A_495 = arith.addi %mul3A_438, %mul3A_494 : i32
          %swap3A_496 = arith.index_cast %add3A_495 : i32 to index
          %swap3A_497 = tpu.vector_load %arg11[%swap3A_496] {strides = array<i32>} : memref<32768xi32, #tpu.memory_space<vmem>>, vector<16xi32>,
          %swap3A_498 = vector.shape_cast %swap3A_497 : vector<16xi32> to vector<16xi32>
          %swap3A_499 = vector.shape_cast %add3A_492 : vector<16xi32> to vector<16xi32>
          tpu.vector_store %arg11[%swap3A_496], %swap3A_499 {strides = array<i32>} : memref<32768xi32, #tpu.memory_space<vmem>>, vector<16xi32>,
          %scan3A_500 = arith.constant 0 : i32
          scf.yield %scan3A_500 : i32
        }
        %scan3A_451 = arith.constant 1024 : i32
        %scan3A_452 = arith.constant 0 : i32
        %scan3A_453 = arith.constant 0 : i32
        %scan3A_454 = arith.constant 128 : i32
        %scan3A_455 = arith.addi %scan3A_453, %scan3A_454 : i32
        %scan3A_456 = arith.constant 1 : i32
        %scan3A_457 = scf.for %scan3A_473 = %scan3A_453 to %scan3A_455 step %scan3A_456 iter_args(%scan3A_474 = %scan3A_452) -> (i32)  : i32 {
          %mul3A_475 = arith.constant 128 : i32
          %mul3A_476 = arith.muli %scan3A_473, %mul3A_475 : i32
          %mul3A_477 = arith.constant 128 : i32
          %mul3A_478 = arith.muli %scan3A_473, %mul3A_477 : i32
          %add3A_479 = arith.addi %mul3A_438, %mul3A_478 : i32
          %dma_start3A = tpu.memref_slice %arg12[%add3A_479] : memref<32768xf32, #tpu.memory_space<vmem>> -> memref<128xf32, #tpu.memory_space<vmem>>
          %dma_start3A_480 = tpu.memref_slice %arg10[%mul3A_476] : memref<16384xi32, #tpu.memory_space<vmem>> -> memref<128xi32, #tpu.memory_space<vmem>>
          %dma_start3A_481 = arith.constant 0 : i32
          %dma_start3A_482 = tpu.memref_slice %arg2[%dma_start3A_481] : memref<83200000xf32, #tpu.memory_space<hbm>> -> memref<83200000xf32, #tpu.memory_space<hbm>>
          tpu.enqueue_indirect_dma source(%dma_start3A_482 : memref<83200000xf32, #tpu.memory_space<hbm>>) target(%dma_start3A : memref<128xf32, #tpu.memory_space<vmem>>) offsets(%dma_start3A_480 : memref<128xi32, #tpu.memory_space<vmem>>) semaphore(%arg19 : memref<!tpu.dma_semaphore, #tpu.memory_space<semaphore_mem>>)
          %scan3A_483 = arith.constant 0 : i32
          scf.yield %scan3A_483 : i32
        }
        %scan3A_458 = arith.constant 128 : i32
        %dma_wait3A_459 = tpu.memref_slice %arg12[%mul3A_438] : memref<32768xf32, #tpu.memory_space<vmem>> -> memref<16384xf32, #tpu.memory_space<vmem>>
        %dma_wait3A_460 = arith.constant 0 : i32
        %dma_wait3A_461 = tpu.memref_slice %arg2[%dma_wait3A_460] : memref<83200000xf32, #tpu.memory_space<hbm>> -> memref<16384xf32, #tpu.memory_space<hbm>>
        %dma_wait3A_462 = tpu.memref_slice %arg12[%mul3A_438] : memref<32768xf32, #tpu.memory_space<vmem>> -> memref<16384xf32, #tpu.memory_space<vmem>>
        %dma_wait3A_463 = arith.constant 0 : i32
        %dma_wait3A_464 = tpu.memref_slice %arg2[%dma_wait3A_463] : memref<83200000xf32, #tpu.memory_space<hbm>> -> memref<16384xf32, #tpu.memory_space<hbm>>
        tpu.wait_dma2 semaphore(%arg19 : memref<!tpu.dma_semaphore, #tpu.memory_space<semaphore_mem>>) src(%dma_wait3A_464 : memref<16384xf32, #tpu.memory_space<hbm>>) dst(%dma_wait3A_462 : memref<16384xf32, #tpu.memory_space<vmem>>)
        %scan3A_465 = arith.constant 0 : i32
        %scan3A_466 = arith.constant 0 : i32
        %scan3A_467 = arith.constant 128 : i32
        %scan3A_468 = arith.addi %scan3A_466, %scan3A_467 : i32
        %scan3A_469 = arith.constant 1 : i32
        %scan3A_470 = scf.for %scan3A_473 = %scan3A_466 to %scan3A_468 step %scan3A_469 iter_args(%scan3A_474 = %scan3A_465) -> (i32)  : i32 {
          %mul3A_475 = arith.constant 128 : i32
          %mul3A_476 = arith.muli %scan3A_473, %mul3A_475 : i32
          %add3A_477 = arith.addi %mul3A_438, %mul3A_476 : i32
          %mul3A_478 = arith.constant 128 : i32
          %mul3A_479 = arith.muli %scan3A_473, %mul3A_478 : i32
          %add3A_480 = arith.addi %mul3A_438, %mul3A_479 : i32
          %dma_start3A = tpu.memref_slice %arg12[%add3A_477] : memref<32768xf32, #tpu.memory_space<vmem>> -> memref<128xf32, #tpu.memory_space<vmem>>
          %dma_start3A_481 = tpu.memref_slice %arg11[%add3A_480] : memref<32768xi32, #tpu.memory_space<vmem>> -> memref<128xi32, #tpu.memory_space<vmem>>
          %dma_start3A_482 = arith.constant 0 : i32
          %dma_start3A_483 = tpu.memref_slice %arg7[%dma_start3A_482] : memref<13893632xf32, #tpu.memory_space<hbm>> -> memref<13893632xf32, #tpu.memory_space<hbm>>
          tpu.enqueue_indirect_dma source(%dma_start3A : memref<128xf32, #tpu.memory_space<vmem>>) target(%dma_start3A_483 : memref<13893632xf32, #tpu.memory_space<hbm>>) offsets(%dma_start3A_481 : memref<128xi32, #tpu.memory_space<vmem>>) semaphore(%arg20 : memref<!tpu.dma_semaphore, #tpu.memory_space<semaphore_mem>>)
          %scan3A_484 = arith.constant 0 : i32
          scf.yield %scan3A_484 : i32
        }
        %scan3A_471 = arith.constant 128 : i32
        %while3A_472 = arith.constant 0 : i32
        scf.yield %while3A_472 : i32
      }
    } else {
    }
    %add3A_393 = arith.constant 1 : i32
    %add3A_394 = arith.addi %select_n3A, %add3A_393 : i32
    %add3A_395 = arith.addi %mul3A_364, %min3A_387 : i32
    %sub3A_396 = arith.constant 26 : i32
    %sub3A_397 = arith.subi %sub3A_396, %min3A_387 : i32
    %gt3A_398 = arith.constant 0 : i32
    %gt3A_399 = arith.cmpi sgt, %sub3A_397, %gt3A_398 : i32
    %convert_element_type3A_400 = arith.extui %gt3A_399 : i1 to i32
    %cond3A_401 = arith.constant 0 : i32
    %cond3A_402 = arith.cmpi ne, %convert_element_type3A_400, %cond3A_401 : i32
    scf.if %cond3A_402 {
      "tpu.region"() ({
        %run_scoped3A = tpu.sem_alloc : memref<!tpu.dma_semaphore, #tpu.memory_space<semaphore_mem>>
        %dma_start3A = arith.constant 0 : i32
        %dma_start3A_430 = tpu.memref_slice %arg3[%add3A_394, %dma_start3A] : memref<26x16384xi32, #tpu.memory_space<hbm>> -> memref<1x16384xi32, #tpu.memory_space<hbm>>
        %dma_start3A_431 = tpu.memref_squeeze %dma_start3A_430 : memref<1x16384xi32, #tpu.memory_space<hbm>> -> memref<16384xi32, #tpu.memory_space<hbm>>
        %dma_start3A_432 = arith.constant 0 : i32
        %dma_start3A_433 = tpu.memref_slice %arg3[%add3A_394, %dma_start3A_432] : memref<26x16384xi32, #tpu.memory_space<hbm>> -> memref<1x16384xi32, #tpu.memory_space<hbm>>
        %dma_start3A_434 = tpu.memref_squeeze %dma_start3A_433 : memref<1x16384xi32, #tpu.memory_space<hbm>> -> memref<16384xi32, #tpu.memory_space<hbm>>
        tpu.enqueue_dma source(%dma_start3A_434 : memref<16384xi32, #tpu.memory_space<hbm>>) target(%arg9 : memref<16384xi32, #tpu.memory_space<vmem>>) target_semaphore(%run_scoped3A : memref<!tpu.dma_semaphore, #tpu.memory_space<semaphore_mem>>)
        %dma_wait3A_435 = arith.constant 0 : i32
        %dma_wait3A_436 = tpu.memref_slice %arg3[%add3A_394, %dma_wait3A_435] : memref<26x16384xi32, #tpu.memory_space<hbm>> -> memref<1x16384xi32, #tpu.memory_space<hbm>>
        %dma_wait3A_437 = tpu.memref_squeeze %dma_wait3A_436 : memref<1x16384xi32, #tpu.memory_space<hbm>> -> memref<16384xi32, #tpu.memory_space<hbm>>
        %dma_wait3A_438 = arith.constant 0 : i32
        %dma_wait3A_439 = tpu.memref_slice %arg3[%add3A_394, %dma_wait3A_438] : memref<26x16384xi32, #tpu.memory_space<hbm>> -> memref<1x16384xi32, #tpu.memory_space<hbm>>
        %dma_wait3A_440 = tpu.memref_squeeze %dma_wait3A_439 : memref<1x16384xi32, #tpu.memory_space<hbm>> -> memref<16384xi32, #tpu.memory_space<hbm>>
        tpu.wait_dma2 semaphore(%run_scoped3A : memref<!tpu.dma_semaphore, #tpu.memory_space<semaphore_mem>>) src(%dma_wait3A_440 : memref<16384xi32, #tpu.memory_space<hbm>>) dst(%arg9 : memref<16384xi32, #tpu.memory_space<vmem>>)
        tpu.yield
      }) : () -> ()
      %while3A = arith.constant 0 : i32
      %while3A_419 = arith.constant 0 : i32
      %while3A_420 = arith.subi %sub3A_397, %while3A : i32
      %while3A_421 = arith.addi %while3A, %while3A_420 : i32
      %while3A_422 = arith.constant 1 : i32
      %while3A_423 = arith.divsi %while3A_420, %while3A_422 : i32
      %while3A_424 = arith.muli %while3A_423, %while3A_422 : i32
      %while3A_425 = arith.addi %while3A, %while3A_424 : i32
      %while3A_426 = arith.constant 1 : i32
      %while3A_427 = scf.for %while3A_430 = %while3A to %while3A_425 step %while3A_426 iter_args(%while3A_431 = %while3A_419) -> (i32)  : i32 {
        %add3A_432 = arith.addi %min3A_387, %while3A_430 : i32
        %add3A_433 = arith.addi %add3A_395, %while3A_430 : i32
        %rem3A_434 = arith.constant 2 : i32
        %rem3A_435 = arith.remsi %add3A_432, %rem3A_434 : i32
        %mul3A_436 = arith.constant 16384 : i32
        %mul3A_437 = arith.muli %rem3A_435, %mul3A_436 : i32
        %ge3A = arith.constant 2 : i32
        %ge3A_438 = arith.cmpi sge, %add3A_432, %ge3A : i32
        %convert_element_type3A_439 = arith.extui %ge3A_438 : i1 to i32
        %cond3A_440 = arith.constant 0 : i32
        %cond3A_441 = arith.cmpi ne, %convert_element_type3A_439, %cond3A_440 : i32
        scf.if %cond3A_441 {
          %dma_wait3A_472 = tpu.memref_slice %arg12[%mul3A_437] : memref<32768xf32, #tpu.memory_space<vmem>> -> memref<16384xf32, #tpu.memory_space<vmem>>
          %dma_wait3A_473 = arith.constant 0 : i32
          %dma_wait3A_474 = tpu.memref_slice %arg2[%dma_wait3A_473] : memref<83200000xf32, #tpu.memory_space<hbm>> -> memref<16384xf32, #tpu.memory_space<hbm>>
          %dma_wait3A_475 = tpu.memref_slice %arg12[%mul3A_437] : memref<32768xf32, #tpu.memory_space<vmem>> -> memref<16384xf32, #tpu.memory_space<vmem>>
          %dma_wait3A_476 = arith.constant 0 : i32
          %dma_wait3A_477 = tpu.memref_slice %arg2[%dma_wait3A_476] : memref<83200000xf32, #tpu.memory_space<hbm>> -> memref<16384xf32, #tpu.memory_space<hbm>>
          tpu.wait_dma2 semaphore(%arg20 : memref<!tpu.dma_semaphore, #tpu.memory_space<semaphore_mem>>) src(%dma_wait3A_477 : memref<16384xf32, #tpu.memory_space<hbm>>) dst(%dma_wait3A_475 : memref<16384xf32, #tpu.memory_space<vmem>>)
        } else {
        }
        %mul3A_442 = arith.constant 100000 : i32
        %mul3A_443 = arith.muli %add3A_433, %mul3A_442 : i32
        %scan3A_444 = arith.constant 0 : i32
        %scan3A_445 = arith.constant 0 : i32
        %scan3A_446 = arith.constant 1024 : i32
        %scan3A_447 = arith.addi %scan3A_445, %scan3A_446 : i32
        %scan3A_448 = arith.constant 1 : i32
        %scan3A_449 = scf.for %scan3A_472 = %scan3A_445 to %scan3A_447 step %scan3A_448 iter_args(%scan3A_473 = %scan3A_444) -> (i32)  : i32 {
          %mul3A_474 = arith.constant 16 : i32
          %mul3A_475 = arith.muli %scan3A_472, %mul3A_474 : i32
          %get3A_476 = arith.index_cast %mul3A_475 : i32 to index
          %get3A_477 = tpu.vector_load %arg9[%get3A_476] {strides = array<i32>} : memref<16384xi32, #tpu.memory_space<vmem>>, vector<16xi32>,
          %get3A_478 = vector.shape_cast %get3A_477 : vector<16xi32> to vector<16xi32>
          %add3A_479 = vector.broadcast %mul3A_443 : i32 to vector<16xi32>
          %add3A_480 = arith.addi %get3A_478, %add3A_479 : vector<16xi32>
          %mul3A_481 = arith.constant 16 : i32
          %mul3A_482 = arith.muli %scan3A_472, %mul3A_481 : i32
          %swap3A_483 = arith.index_cast %mul3A_482 : i32 to index
          %swap3A_484 = tpu.vector_load %arg10[%swap3A_483] {strides = array<i32>} : memref<16384xi32, #tpu.memory_space<vmem>>, vector<16xi32>,
          %swap3A_485 = vector.shape_cast %swap3A_484 : vector<16xi32> to vector<16xi32>
          %swap3A_486 = vector.shape_cast %add3A_480 : vector<16xi32> to vector<16xi32>
          tpu.vector_store %arg10[%swap3A_483], %swap3A_486 {strides = array<i32>} : memref<16384xi32, #tpu.memory_space<vmem>>, vector<16xi32>,
          %mul3A_487 = arith.constant 13568 : i32
          %mul3A_488 = arith.muli %scan3A_472, %mul3A_487 : i32
          %add3A_489 = arith.addi %mul3A_488, %add3A_433 : i32
          %add3A_490 = vector.broadcast %add3A_489 : i32 to vector<16xi32>
          %add3A_491 = arith.addi %mul3A_390, %add3A_490 : vector<16xi32>
          %mul3A_492 = arith.constant 16 : i32
          %mul3A_493 = arith.muli %scan3A_472, %mul3A_492 : i32
          %add3A_494 = arith.addi %mul3A_437, %mul3A_493 : i32
          %swap3A_495 = arith.index_cast %add3A_494 : i32 to index
          %swap3A_496 = tpu.vector_load %arg11[%swap3A_495] {strides = array<i32>} : memref<32768xi32, #tpu.memory_space<vmem>>, vector<16xi32>,
          %swap3A_497 = vector.shape_cast %swap3A_496 : vector<16xi32> to vector<16xi32>
          %swap3A_498 = vector.shape_cast %add3A_491 : vector<16xi32> to vector<16xi32>
          tpu.vector_store %arg11[%swap3A_495], %swap3A_498 {strides = array<i32>} : memref<32768xi32, #tpu.memory_space<vmem>>, vector<16xi32>,
          %scan3A_499 = arith.constant 0 : i32
          scf.yield %scan3A_499 : i32
        }
        %scan3A_450 = arith.constant 1024 : i32
        %scan3A_451 = arith.constant 0 : i32
        %scan3A_452 = arith.constant 0 : i32
        %scan3A_453 = arith.constant 128 : i32
        %scan3A_454 = arith.addi %scan3A_452, %scan3A_453 : i32
        %scan3A_455 = arith.constant 1 : i32
        %scan3A_456 = scf.for %scan3A_472 = %scan3A_452 to %scan3A_454 step %scan3A_455 iter_args(%scan3A_473 = %scan3A_451) -> (i32)  : i32 {
          %mul3A_474 = arith.constant 128 : i32
          %mul3A_475 = arith.muli %scan3A_472, %mul3A_474 : i32
          %mul3A_476 = arith.constant 128 : i32
          %mul3A_477 = arith.muli %scan3A_472, %mul3A_476 : i32
          %add3A_478 = arith.addi %mul3A_437, %mul3A_477 : i32
          %dma_start3A = tpu.memref_slice %arg12[%add3A_478] : memref<32768xf32, #tpu.memory_space<vmem>> -> memref<128xf32, #tpu.memory_space<vmem>>
          %dma_start3A_479 = tpu.memref_slice %arg10[%mul3A_475] : memref<16384xi32, #tpu.memory_space<vmem>> -> memref<128xi32, #tpu.memory_space<vmem>>
          %dma_start3A_480 = arith.constant 0 : i32
          %dma_start3A_481 = tpu.memref_slice %arg2[%dma_start3A_480] : memref<83200000xf32, #tpu.memory_space<hbm>> -> memref<83200000xf32, #tpu.memory_space<hbm>>
          tpu.enqueue_indirect_dma source(%dma_start3A_481 : memref<83200000xf32, #tpu.memory_space<hbm>>) target(%dma_start3A : memref<128xf32, #tpu.memory_space<vmem>>) offsets(%dma_start3A_479 : memref<128xi32, #tpu.memory_space<vmem>>) semaphore(%arg19 : memref<!tpu.dma_semaphore, #tpu.memory_space<semaphore_mem>>)
          %scan3A_482 = arith.constant 0 : i32
          scf.yield %scan3A_482 : i32
        }
        %scan3A_457 = arith.constant 128 : i32
        %dma_wait3A_458 = tpu.memref_slice %arg12[%mul3A_437] : memref<32768xf32, #tpu.memory_space<vmem>> -> memref<16384xf32, #tpu.memory_space<vmem>>
        %dma_wait3A_459 = arith.constant 0 : i32
        %dma_wait3A_460 = tpu.memref_slice %arg2[%dma_wait3A_459] : memref<83200000xf32, #tpu.memory_space<hbm>> -> memref<16384xf32, #tpu.memory_space<hbm>>
        %dma_wait3A_461 = tpu.memref_slice %arg12[%mul3A_437] : memref<32768xf32, #tpu.memory_space<vmem>> -> memref<16384xf32, #tpu.memory_space<vmem>>
        %dma_wait3A_462 = arith.constant 0 : i32
        %dma_wait3A_463 = tpu.memref_slice %arg2[%dma_wait3A_462] : memref<83200000xf32, #tpu.memory_space<hbm>> -> memref<16384xf32, #tpu.memory_space<hbm>>
        tpu.wait_dma2 semaphore(%arg19 : memref<!tpu.dma_semaphore, #tpu.memory_space<semaphore_mem>>) src(%dma_wait3A_463 : memref<16384xf32, #tpu.memory_space<hbm>>) dst(%dma_wait3A_461 : memref<16384xf32, #tpu.memory_space<vmem>>)
        %scan3A_464 = arith.constant 0 : i32
        %scan3A_465 = arith.constant 0 : i32
        %scan3A_466 = arith.constant 128 : i32
        %scan3A_467 = arith.addi %scan3A_465, %scan3A_466 : i32
        %scan3A_468 = arith.constant 1 : i32
        %scan3A_469 = scf.for %scan3A_472 = %scan3A_465 to %scan3A_467 step %scan3A_468 iter_args(%scan3A_473 = %scan3A_464) -> (i32)  : i32 {
          %mul3A_474 = arith.constant 128 : i32
          %mul3A_475 = arith.muli %scan3A_472, %mul3A_474 : i32
          %add3A_476 = arith.addi %mul3A_437, %mul3A_475 : i32
          %mul3A_477 = arith.constant 128 : i32
          %mul3A_478 = arith.muli %scan3A_472, %mul3A_477 : i32
          %add3A_479 = arith.addi %mul3A_437, %mul3A_478 : i32
          %dma_start3A = tpu.memref_slice %arg12[%add3A_476] : memref<32768xf32, #tpu.memory_space<vmem>> -> memref<128xf32, #tpu.memory_space<vmem>>
          %dma_start3A_480 = tpu.memref_slice %arg11[%add3A_479] : memref<32768xi32, #tpu.memory_space<vmem>> -> memref<128xi32, #tpu.memory_space<vmem>>
          %dma_start3A_481 = arith.constant 0 : i32
          %dma_start3A_482 = tpu.memref_slice %arg7[%dma_start3A_481] : memref<13893632xf32, #tpu.memory_space<hbm>> -> memref<13893632xf32, #tpu.memory_space<hbm>>
          tpu.enqueue_indirect_dma source(%dma_start3A : memref<128xf32, #tpu.memory_space<vmem>>) target(%dma_start3A_482 : memref<13893632xf32, #tpu.memory_space<hbm>>) offsets(%dma_start3A_480 : memref<128xi32, #tpu.memory_space<vmem>>) semaphore(%arg20 : memref<!tpu.dma_semaphore, #tpu.memory_space<semaphore_mem>>)
          %scan3A_483 = arith.constant 0 : i32
          scf.yield %scan3A_483 : i32
        }
        %scan3A_470 = arith.constant 128 : i32
        %while3A_471 = arith.constant 0 : i32
        scf.yield %while3A_471 : i32
      }
      %while3A_428 = arith.constant 1 : i32
      %while3A_429 = scf.for %while3A_430 = %while3A_425 to %while3A_421 step %while3A_428 iter_args(%while3A_431 = %while3A_427) -> (i32)  : i32 {
        %add3A_432 = arith.addi %min3A_387, %while3A_430 : i32
        %add3A_433 = arith.addi %add3A_395, %while3A_430 : i32
        %rem3A_434 = arith.constant 2 : i32
        %rem3A_435 = arith.remsi %add3A_432, %rem3A_434 : i32
        %mul3A_436 = arith.constant 16384 : i32
        %mul3A_437 = arith.muli %rem3A_435, %mul3A_436 : i32
        %ge3A = arith.constant 2 : i32
        %ge3A_438 = arith.cmpi sge, %add3A_432, %ge3A : i32
        %convert_element_type3A_439 = arith.extui %ge3A_438 : i1 to i32
        %cond3A_440 = arith.constant 0 : i32
        %cond3A_441 = arith.cmpi ne, %convert_element_type3A_439, %cond3A_440 : i32
        scf.if %cond3A_441 {
          %dma_wait3A_472 = tpu.memref_slice %arg12[%mul3A_437] : memref<32768xf32, #tpu.memory_space<vmem>> -> memref<16384xf32, #tpu.memory_space<vmem>>
          %dma_wait3A_473 = arith.constant 0 : i32
          %dma_wait3A_474 = tpu.memref_slice %arg2[%dma_wait3A_473] : memref<83200000xf32, #tpu.memory_space<hbm>> -> memref<16384xf32, #tpu.memory_space<hbm>>
          %dma_wait3A_475 = tpu.memref_slice %arg12[%mul3A_437] : memref<32768xf32, #tpu.memory_space<vmem>> -> memref<16384xf32, #tpu.memory_space<vmem>>
          %dma_wait3A_476 = arith.constant 0 : i32
          %dma_wait3A_477 = tpu.memref_slice %arg2[%dma_wait3A_476] : memref<83200000xf32, #tpu.memory_space<hbm>> -> memref<16384xf32, #tpu.memory_space<hbm>>
          tpu.wait_dma2 semaphore(%arg20 : memref<!tpu.dma_semaphore, #tpu.memory_space<semaphore_mem>>) src(%dma_wait3A_477 : memref<16384xf32, #tpu.memory_space<hbm>>) dst(%dma_wait3A_475 : memref<16384xf32, #tpu.memory_space<vmem>>)
        } else {
        }
        %mul3A_442 = arith.constant 100000 : i32
        %mul3A_443 = arith.muli %add3A_433, %mul3A_442 : i32
        %scan3A_444 = arith.constant 0 : i32
        %scan3A_445 = arith.constant 0 : i32
        %scan3A_446 = arith.constant 1024 : i32
        %scan3A_447 = arith.addi %scan3A_445, %scan3A_446 : i32
        %scan3A_448 = arith.constant 1 : i32
        %scan3A_449 = scf.for %scan3A_472 = %scan3A_445 to %scan3A_447 step %scan3A_448 iter_args(%scan3A_473 = %scan3A_444) -> (i32)  : i32 {
          %mul3A_474 = arith.constant 16 : i32
          %mul3A_475 = arith.muli %scan3A_472, %mul3A_474 : i32
          %get3A_476 = arith.index_cast %mul3A_475 : i32 to index
          %get3A_477 = tpu.vector_load %arg9[%get3A_476] {strides = array<i32>} : memref<16384xi32, #tpu.memory_space<vmem>>, vector<16xi32>,
          %get3A_478 = vector.shape_cast %get3A_477 : vector<16xi32> to vector<16xi32>
          %add3A_479 = vector.broadcast %mul3A_443 : i32 to vector<16xi32>
          %add3A_480 = arith.addi %get3A_478, %add3A_479 : vector<16xi32>
          %mul3A_481 = arith.constant 16 : i32
          %mul3A_482 = arith.muli %scan3A_472, %mul3A_481 : i32
          %swap3A_483 = arith.index_cast %mul3A_482 : i32 to index
          %swap3A_484 = tpu.vector_load %arg10[%swap3A_483] {strides = array<i32>} : memref<16384xi32, #tpu.memory_space<vmem>>, vector<16xi32>,
          %swap3A_485 = vector.shape_cast %swap3A_484 : vector<16xi32> to vector<16xi32>
          %swap3A_486 = vector.shape_cast %add3A_480 : vector<16xi32> to vector<16xi32>
          tpu.vector_store %arg10[%swap3A_483], %swap3A_486 {strides = array<i32>} : memref<16384xi32, #tpu.memory_space<vmem>>, vector<16xi32>,
          %mul3A_487 = arith.constant 13568 : i32
          %mul3A_488 = arith.muli %scan3A_472, %mul3A_487 : i32
          %add3A_489 = arith.addi %mul3A_488, %add3A_433 : i32
          %add3A_490 = vector.broadcast %add3A_489 : i32 to vector<16xi32>
          %add3A_491 = arith.addi %mul3A_390, %add3A_490 : vector<16xi32>
          %mul3A_492 = arith.constant 16 : i32
          %mul3A_493 = arith.muli %scan3A_472, %mul3A_492 : i32
          %add3A_494 = arith.addi %mul3A_437, %mul3A_493 : i32
          %swap3A_495 = arith.index_cast %add3A_494 : i32 to index
          %swap3A_496 = tpu.vector_load %arg11[%swap3A_495] {strides = array<i32>} : memref<32768xi32, #tpu.memory_space<vmem>>, vector<16xi32>,
          %swap3A_497 = vector.shape_cast %swap3A_496 : vector<16xi32> to vector<16xi32>
          %swap3A_498 = vector.shape_cast %add3A_491 : vector<16xi32> to vector<16xi32>
          tpu.vector_store %arg11[%swap3A_495], %swap3A_498 {strides = array<i32>} : memref<32768xi32, #tpu.memory_space<vmem>>, vector<16xi32>,
          %scan3A_499 = arith.constant 0 : i32
          scf.yield %scan3A_499 : i32
        }
        %scan3A_450 = arith.constant 1024 : i32
        %scan3A_451 = arith.constant 0 : i32
        %scan3A_452 = arith.constant 0 : i32
        %scan3A_453 = arith.constant 128 : i32
        %scan3A_454 = arith.addi %scan3A_452, %scan3A_453 : i32
        %scan3A_455 = arith.constant 1 : i32
        %scan3A_456 = scf.for %scan3A_472 = %scan3A_452 to %scan3A_454 step %scan3A_455 iter_args(%scan3A_473 = %scan3A_451) -> (i32)  : i32 {
          %mul3A_474 = arith.constant 128 : i32
          %mul3A_475 = arith.muli %scan3A_472, %mul3A_474 : i32
          %mul3A_476 = arith.constant 128 : i32
          %mul3A_477 = arith.muli %scan3A_472, %mul3A_476 : i32
          %add3A_478 = arith.addi %mul3A_437, %mul3A_477 : i32
          %dma_start3A = tpu.memref_slice %arg12[%add3A_478] : memref<32768xf32, #tpu.memory_space<vmem>> -> memref<128xf32, #tpu.memory_space<vmem>>
          %dma_start3A_479 = tpu.memref_slice %arg10[%mul3A_475] : memref<16384xi32, #tpu.memory_space<vmem>> -> memref<128xi32, #tpu.memory_space<vmem>>
          %dma_start3A_480 = arith.constant 0 : i32
          %dma_start3A_481 = tpu.memref_slice %arg2[%dma_start3A_480] : memref<83200000xf32, #tpu.memory_space<hbm>> -> memref<83200000xf32, #tpu.memory_space<hbm>>
          tpu.enqueue_indirect_dma source(%dma_start3A_481 : memref<83200000xf32, #tpu.memory_space<hbm>>) target(%dma_start3A : memref<128xf32, #tpu.memory_space<vmem>>) offsets(%dma_start3A_479 : memref<128xi32, #tpu.memory_space<vmem>>) semaphore(%arg19 : memref<!tpu.dma_semaphore, #tpu.memory_space<semaphore_mem>>)
          %scan3A_482 = arith.constant 0 : i32
          scf.yield %scan3A_482 : i32
        }
        %scan3A_457 = arith.constant 128 : i32
        %dma_wait3A_458 = tpu.memref_slice %arg12[%mul3A_437] : memref<32768xf32, #tpu.memory_space<vmem>> -> memref<16384xf32, #tpu.memory_space<vmem>>
        %dma_wait3A_459 = arith.constant 0 : i32
        %dma_wait3A_460 = tpu.memref_slice %arg2[%dma_wait3A_459] : memref<83200000xf32, #tpu.memory_space<hbm>> -> memref<16384xf32, #tpu.memory_space<hbm>>
        %dma_wait3A_461 = tpu.memref_slice %arg12[%mul3A_437] : memref<32768xf32, #tpu.memory_space<vmem>> -> memref<16384xf32, #tpu.memory_space<vmem>>
        %dma_wait3A_462 = arith.constant 0 : i32
        %dma_wait3A_463 = tpu.memref_slice %arg2[%dma_wait3A_462] : memref<83200000xf32, #tpu.memory_space<hbm>> -> memref<16384xf32, #tpu.memory_space<hbm>>
        tpu.wait_dma2 semaphore(%arg19 : memref<!tpu.dma_semaphore, #tpu.memory_space<semaphore_mem>>) src(%dma_wait3A_463 : memref<16384xf32, #tpu.memory_space<hbm>>) dst(%dma_wait3A_461 : memref<16384xf32, #tpu.memory_space<vmem>>)
        %scan3A_464 = arith.constant 0 : i32
        %scan3A_465 = arith.constant 0 : i32
        %scan3A_466 = arith.constant 128 : i32
        %scan3A_467 = arith.addi %scan3A_465, %scan3A_466 : i32
        %scan3A_468 = arith.constant 1 : i32
        %scan3A_469 = scf.for %scan3A_472 = %scan3A_465 to %scan3A_467 step %scan3A_468 iter_args(%scan3A_473 = %scan3A_464) -> (i32)  : i32 {
          %mul3A_474 = arith.constant 128 : i32
          %mul3A_475 = arith.muli %scan3A_472, %mul3A_474 : i32
          %add3A_476 = arith.addi %mul3A_437, %mul3A_475 : i32
          %mul3A_477 = arith.constant 128 : i32
          %mul3A_478 = arith.muli %scan3A_472, %mul3A_477 : i32
          %add3A_479 = arith.addi %mul3A_437, %mul3A_478 : i32
          %dma_start3A = tpu.memref_slice %arg12[%add3A_476] : memref<32768xf32, #tpu.memory_space<vmem>> -> memref<128xf32, #tpu.memory_space<vmem>>
          %dma_start3A_480 = tpu.memref_slice %arg11[%add3A_479] : memref<32768xi32, #tpu.memory_space<vmem>> -> memref<128xi32, #tpu.memory_space<vmem>>
          %dma_start3A_481 = arith.constant 0 : i32
          %dma_start3A_482 = tpu.memref_slice %arg7[%dma_start3A_481] : memref<13893632xf32, #tpu.memory_space<hbm>> -> memref<13893632xf32, #tpu.memory_space<hbm>>
          tpu.enqueue_indirect_dma source(%dma_start3A : memref<128xf32, #tpu.memory_space<vmem>>) target(%dma_start3A_482 : memref<13893632xf32, #tpu.memory_space<hbm>>) offsets(%dma_start3A_480 : memref<128xi32, #tpu.memory_space<vmem>>) semaphore(%arg20 : memref<!tpu.dma_semaphore, #tpu.memory_space<semaphore_mem>>)
          %scan3A_483 = arith.constant 0 : i32
          scf.yield %scan3A_483 : i32
        }
        %scan3A_470 = arith.constant 128 : i32
        %while3A_471 = arith.constant 0 : i32
        scf.yield %while3A_471 : i32
      }
    } else {
    }
    %dma_wait3A_403 = arith.constant 0 : i32
    %dma_wait3A_404 = tpu.memref_slice %arg12[%dma_wait3A_403] : memref<32768xf32, #tpu.memory_space<vmem>> -> memref<16384xf32, #tpu.memory_space<vmem>>
    %dma_wait3A_405 = arith.constant 0 : i32
    %dma_wait3A_406 = tpu.memref_slice %arg2[%dma_wait3A_405] : memref<83200000xf32, #tpu.memory_space<hbm>> -> memref<16384xf32, #tpu.memory_space<hbm>>
    %dma_wait3A_407 = arith.constant 0 : i32
    %dma_wait3A_408 = tpu.memref_slice %arg12[%dma_wait3A_407] : memref<32768xf32, #tpu.memory_space<vmem>> -> memref<16384xf32, #tpu.memory_space<vmem>>
    %dma_wait3A_409 = arith.constant 0 : i32
    %dma_wait3A_410 = tpu.memref_slice %arg2[%dma_wait3A_409] : memref<83200000xf32, #tpu.memory_space<hbm>> -> memref<16384xf32, #tpu.memory_space<hbm>>
    tpu.wait_dma2 semaphore(%arg20 : memref<!tpu.dma_semaphore, #tpu.memory_space<semaphore_mem>>) src(%dma_wait3A_410 : memref<16384xf32, #tpu.memory_space<hbm>>) dst(%dma_wait3A_408 : memref<16384xf32, #tpu.memory_space<vmem>>)
    %dma_wait3A_411 = arith.constant 16384 : i32
    %dma_wait3A_412 = tpu.memref_slice %arg12[%dma_wait3A_411] : memref<32768xf32, #tpu.memory_space<vmem>> -> memref<16384xf32, #tpu.memory_space<vmem>>
    %dma_wait3A_413 = arith.constant 0 : i32
    %dma_wait3A_414 = tpu.memref_slice %arg2[%dma_wait3A_413] : memref<83200000xf32, #tpu.memory_space<hbm>> -> memref<16384xf32, #tpu.memory_space<hbm>>
    %dma_wait3A_415 = arith.constant 16384 : i32
    %dma_wait3A_416 = tpu.memref_slice %arg12[%dma_wait3A_415] : memref<32768xf32, #tpu.memory_space<vmem>> -> memref<16384xf32, #tpu.memory_space<vmem>>
    %dma_wait3A_417 = arith.constant 0 : i32
    %dma_wait3A_418 = tpu.memref_slice %arg2[%dma_wait3A_417] : memref<83200000xf32, #tpu.memory_space<hbm>> -> memref<16384xf32, #tpu.memory_space<hbm>>
    tpu.wait_dma2 semaphore(%arg20 : memref<!tpu.dma_semaphore, #tpu.memory_space<semaphore_mem>>) src(%dma_wait3A_418 : memref<16384xf32, #tpu.memory_space<hbm>>) dst(%dma_wait3A_416 : memref<16384xf32, #tpu.memory_space<vmem>>)
    return
  }
}

</mosaic_0001>

<sc_bundles>
// kernel: _run.3.cloned.1.call-start
scs
__scs_entry_jumppad:
0x0: {  	(pc) =	sbr.rel $0x88, $3  }
0x1: {  	(tag) =	ssettag $0x0;
	lr =	simm.s32 $0x1  }
0x2: {  	[smem:$0x3F9C] =	sst lr;
	_ =	strace $0xD0000000  }
0x3: {  	_ = 	snop  }
0x4: {  	_ = 	snop  }
0x5: {  	_ = 	snop  }
0x6: {  	_ = 	snop  }
0x7: {  	_ = 	snop  }
__scs_overlays_trampoline_lowered:
0x8: {  	[smem:$0x3FAB] =	sst s0  }
0x9: {  	[smem:$0x3FAC] =	sst s1  }
0xa: {  	[smem:$0x3FAD] =	sst s2  }
0xb: {  	[smem:$0x3FAE] =	sst s3  }
0xc: {  	[smem:$0x3FAF] =	sst s4  }
0xd: {  	[smem:$0x3FB0] =	sst s5  }
0xe: {  	[smem:$0x3FB1] =	sst s6  }
0xf: {  	[smem:$0x3FB2] =	sst s7  }
0x10: {  	[smem:$0x3FB3] =	sst s8  }
0x11: {  	[smem:$0x3FB4] =	sst s9;
	s0 =	simm.s32 @!p0 $0x0  }
0x12: {  	s1 =	sld [smem:$0x3F9A];
	s0 =	simm.s32 @p0 $0x1  }
0x13: {  	[smem:$0x3FB5] =	sst s0;
	s0 =	simm.s32 @!p1 $0x0  }
0x14: {  	s2 =	sld [smem:$0x3F99];
	s0 =	simm.s32 @p1 $0x1  }
0x15: {  	[smem:$0x3FB6] =	sst s0;
	s0 =	simm.s32 @!p2 $0x0  }
0x16: {  	s3 =	sld [smem:$0x3FDB];
	s0 =	simm.s32 @p2 $0x1  }
0x17: {  	s4 =	simm.s32 $0x1BF5;
	[smem:$0x3FB8] =	sst s0  }
0x18: {  	s0 =	sld [smem:$0x3F9B];
	_ =	swait.ge [sflag:s4], $0x0  }
0x19: {  	s7 =	sld [smem:$0x3F9C]  }
0x1a: {  	s8 =	sadd.s32 $0xFFFFE003, lr  }
0x1b: {  	s9 =	sadd.s32 $0xFFFFFEF7, lr;
	s5 =	simm.s32 $0xFFFFFFFF;
	p2 =	slt.u32 s8, $0xFFFFF086  }
0x1c: {  	p1 =	slt.u32 s9, $0xF7A;
	s5 =	simm.s32 @!p2 $0x0  }
0x1d: {  	s5 =	simm.s32 @p1 $0x1;
	p0 =	seq.s32 s7, s2  }
0x1e: {  	s7 =	smul.u32 @!p0 $0xF7A, s2;
	p2 =	seq.s32 @!p0 s5, $0x0  }
0x1f: {  	s9 =	smul.u32 $0xF7A, s1;
	s8 =	simm.s32 @!p0 $0x1BF5;
	p2 =	por !p2, p0  }
0x20: {  	[sflag:s8] =	ssyncset.s32 @!p0 $0xFFFFF086;
	s6 =	sadd.s32 @!p0 s3, s7;
	s7 =	simm.s32 @!p0 $0x108  }
0x21: {  	s3 =	sadd.s32 s3, s9;
	s6 =	sadd.s32 @!p0 $0x88, s6;
	s7 =	simm.s32 @p2 $0x1082  }
0x22: {  	[simem:s7], [sflag:s8] =	dma.local @!p0 [hbm:s6], $0xF7A  }
0x23: {  	s9 =	sor.u32 $0xD0000000, s2;
	s6 =	simm.s32 $0x108;
	_ =	swait.ge @!p0 [sflag:s8], $0x0  }
0x24: {  	s3 =	sadd.s32 $0x88, s3;
	s6 =	simm.s32 @!p1 $0x1082;
	[sflag:s4] =	ssyncset.s32 $0xFFFFF086  }
0x25: {  	[simem:s6], [sflag:s4] =	dma.local [hbm:s3], $0xF7A  }
0x26: {  	[smem:$0x3F9C] =	sst s1;
	(tag) =	ssettag s2;
	_ =	strace s9  }
0x27: {  	s1 =	sld [smem:$0x3FAC]  }
0x28: {  	s2 =	sld [smem:$0x3FAD]  }
0x29: {  	s4 =	sld [smem:$0x3FAF]  }
0x2a: {  	p0 =	seq.s32 s5, $0x0;
	s5 =	sld [smem:$0x3FB0]  }
0x2b: {  	s6 =	sld [smem:$0x3FB1]  }
0x2c: {  	s7 =	sld [smem:$0x3FB2]  }
0x2d: {  	s3 =	simm.s32 $0x108;
	s8 =	sld [smem:$0x3FB3]  }
0x2e: {  	s3 =	simm.s32 @!p0 $0x1082;
	s9 =	sld [smem:$0x3FB4]  }
0x2f: {  	lr =	sadd.s32 s0, s3;
	s0 =	sld [smem:$0x3FAB]  }
0x30: {  	s3 =	sld [smem:$0x3FAE]  }
0x31: {  	[smem:$0x3FB7] =	sst s10  }
0x32: {  	s10 =	sld [smem:$0x3FB5];
	_ =	sdelay $0x3  }
0x33: {  	p0 =	seq.s32 s10, $0x1;
	s10 =	sld [smem:$0x3FB7];
	_ =	sdelay $0x3  }
0x34: {  	[smem:$0x3FB7] =	sst s10  }
0x35: {  	s10 =	sld [smem:$0x3FB6];
	_ =	sdelay $0x3  }
0x36: {  	p1 =	seq.s32 s10, $0x1;
	s10 =	sld [smem:$0x3FB7];
	_ =	sdelay $0x3  }
0x37: {  	[smem:$0x3FB7] =	sst s10  }
0x38: {  	s10 =	sld [smem:$0x3FB8]  }
0x39: {  	_ = 	snop;
	(pc) =	sbr.ind lr, $3  }
0x3a: {  	_ = 	snop  }
0x3b: {  	_ = 	snop  }
0x3c: {  	p2 =	seq.s32 s10, $0x1;
	s10 =	sld [smem:$0x3FB7]  }
0x3d: {  	_ =	shalt  }
0x3e: {  	_ =	shalt  }
0x3f: {  	_ =	shalt  }
0x40: {  	_ =	shalt  }
0x41: {  	_ =	shalt  }
0x42: {  	_ =	shalt  }
0x43: {  	_ =	shalt  }
0x44: {  	_ =	shalt  }
0x45: {  	_ =	shalt  }
0x46: {  	_ =	shalt  }
0x47: {  	_ =	shalt  }
0x48: {  	_ =	shalt  }
0x49: {  	_ =	shalt  }
0x4a: {  	_ =	shalt  }
0x4b: {  	_ =	shalt  }
0x4c: {  	_ =	shalt  }
0x4d: {  	_ =	shalt  }
0x4e: {  	_ =	shalt  }
0x4f: {  	_ =	shalt  }
0x50: {  	_ =	shalt  }
0x51: {  	_ =	shalt  }
0x52: {  	_ =	shalt  }
0x53: {  	_ =	shalt  }
0x54: {  	_ =	shalt  }
0x55: {  	_ =	shalt  }
0x56: {  	_ =	shalt  }
0x57: {  	_ =	shalt  }
0x58: {  	_ =	shalt  }
0x59: {  	_ =	shalt  }
0x5a: {  	_ =	shalt  }
0x5b: {  	_ =	shalt  }
0x5c: {  	_ =	shalt  }
0x5d: {  	_ =	shalt  }
0x5e: {  	_ =	shalt  }
0x5f: {  	_ =	shalt  }
0x60: {  	_ =	shalt  }
0x61: {  	_ =	shalt  }
0x62: {  	_ =	shalt  }
0x63: {  	_ =	shalt  }
0x64: {  	_ =	shalt  }
0x65: {  	_ =	shalt  }
0x66: {  	_ =	shalt  }
0x67: {  	_ =	shalt  }
0x68: {  	_ =	shalt  }
0x69: {  	_ =	shalt  }
0x6a: {  	_ =	shalt  }
0x6b: {  	_ =	shalt  }
0x6c: {  	_ =	shalt  }
0x6d: {  	_ =	shalt  }
0x6e: {  	_ =	shalt  }
0x6f: {  	_ =	shalt  }
0x70: {  	_ =	shalt  }
0x71: {  	_ =	shalt  }
0x72: {  	_ =	shalt  }
0x73: {  	_ =	shalt  }
0x74: {  	_ =	shalt  }
0x75: {  	_ =	shalt  }
0x76: {  	_ =	shalt  }
0x77: {  	_ =	shalt  }
0x78: {  	_ =	shalt  }
0x79: {  	_ =	shalt  }
0x7a: {  	_ =	shalt  }
0x7b: {  	_ =	shalt  }
0x7c: {  	_ =	shalt  }
0x7d: {  	_ =	shalt  }
0x7e: {  	_ =	shalt  }
0x7f: {  	_ =	shalt  }
0x80: {  	_ =	shalt  }
0x81: {  	_ =	shalt  }
0x82: {  	_ =	shalt  }
0x83: {  	_ =	shalt  }
0x84: {  	_ =	shalt  }
0x85: {  	_ =	shalt  }
0x86: {  	_ =	shalt  }
0x87: {  	_ =	shalt  }
.Lfunc_end0:
.L_simem_size_0:
called_computation.1_lowered:
.L_overlay_start_0:
0x88: {  	s2 =	sld [smem:$0x3FD9]  }
0x89: {  	s3 =	sld [smem:$0x3FFE];
	_ =	sdelay $0x1  }
0x8a: {  	s1 =	srdreg.scid  }
0x8b: {  	s0 =	sand.u32 $0x1, s1  }
0x8c: {  	s17 =	sshll.u32 s0, $0xA;
	s2 =	sadd.s32 s3, s2  }
0x8d: {  	s2 =	sadd.s32 s2, s17  }
0x8e: {  	[smem:$0x3FC3] =	sst s2  }
0x8f: {  	_ = 	snop  }
0x90: {  	s2 =	sld [smem:$0x3FC9]  }
0x91: {  	s18 =	sld [smem:$0x3FC6]  }
0x92: {  	s4 =	sld [smem:$0x3FC5]  }
0x93: {  	s5 =	sld [smem:$0x3FD0];
	(tm) =	ssettm $0x1  }
0x94: {  	s6 =	sld [smem:$0x3FFB];
	_ =	sdelay $0x3  }
0x95: {  	_ =	strace s6  }
0x96: {  	s6 =	sld [smem:$0x3FFC];
	_ =	sdelay $0x3  }
0x97: {  	_ =	strace s6  }
0x98: {  	s6 =	sld [smem:$0x3FFD];
	_ =	sdelay $0x3  }
0x99: {  	_ =	strace s6  }
0x9a: {  	_ =	strace $0x8FFFFFFF  }
0x9b: {  	s19 =	sld [smem:$0x3FDB];
	_ =	sdelay $0x1  }
0x9c: {  	s7 =	simm.s32 $_scs_section_size  }
0x9d: {  	s8 =	simm.s32 $_size__tile_overlayer_lowered;
	s9 =	simm.s32 $_tile_overlayer_lowered  }
0x9e: {  	s22 =	simm.s32 $0x1BFF;
	s21 =	sshll.u32 s9, $0x1;
	s6 =	sadd.s32 s7, s19  }
0x9f: {  	s10 =	simm.s32 $0x0;
	s20 =	sshll.u32 s8, $0x1;
	s8 =	sadd.s32 s21, s6  }
0xa0: {  	[timem:s10], [sflag:s22] =	dma.local [hbm:s8], s20  }
0xa1: {  	_ =	swait.ge [sflag:s22], s20  }
0xa2: {  	s7 =	ssub.s32 $0x0, s20;
	[sflag:s22] =	ssyncset.done $0x0  }
0xa3: {  	[sflag:s22] =	ssyncadd.s32 s7;
	_ =	sdelay $0x1  }
0xa4: {  	s23 =	simm.s32 $0x1B8B  }
0xa5: {  	_ =	swait.ge [sflag:s23], $0x1  }
0xa6: {  	[sflag:s23] =	ssyncset.done $0x0  }
0xa7: {  	s25 =	simm.s32 $0x1B8E;
	s24 =	sld [smem:$0x3FFE];
	[sflag:s23] =	ssyncadd.s32 $0xFFFFFFFF  }
0xa8: {  	s26 =	simm.s32 $execute0_lowered;
	[smem:$0x3FD2] =	sst s25  }
0xa9: {  	s8 =	sshll.u32 s26, $0x1;
	_ =	strace $0x80000046;
	[dreg:$0x1] =	wrdreg $0xFFFFFFFF  }
0xaa: {  	s28 =	simm.s32 $_size_execute0_lowered;
	s6 =	sadd.s32 s6, s8;
	[dreg:$0x0] =	wrdreg $0x0  }
0xab: {  	s8 =	sshll.u32 s28, $0x1;
	[dreg:$0x2] =	wrdreg s6  }
0xac: {  	[dreg:$0x3] =	wrdreg s8  }
0xad: {  	[dreg:$0x4] =	wrdreg $0xC0  }
0xae: {  	_ =	task [dreg:s10], $0x5FFFF  }
0xaf: {  	[dreg:$0x1] =	wrdreg $0xFFFFFFFF  }
0xb0: {  	[dreg:$0x0] =	wrdreg $0x60  }
0xb1: {  	[dreg:$0x2] =	wrdreg s2  }
0xb2: {  	[dreg:$0x3] =	wrdreg s24  }
0xb3: {  	[dreg:$0x4] =	wrdreg s18  }
0xb4: {  	[dreg:$0x5] =	wrdreg s4  }
0xb5: {  	[dreg:$0x6] =	wrdreg s5  }
0xb6: {  	[dreg:$0x7] =	wrdreg $0x9  }
0xb7: {  	_ =	task.clear_ibuf [dreg:s10], $0x8FFFF;
	_ =	strace $0x90000046  }
0xb8: {  	s29 =	simm.s32 $0x9;
	_ =	strace $0x80000048  }
0xb9: {  	_ =	swait.ge [sflag:s29], $0x1  }
0xba: {  	[sflag:s29] =	ssyncadd.s32 $0xFFFFFFFF  }
0xbb: {  	_ =	strace $0x90000048  }
0xbc: {  	_ =	sfence  }
0xbd: {  	s30 =	sld [smem:$0x0];
	_ =	sdelay $0x2  }
0xbe: {  	s31 =	sshll.u32 s1, $0xD;
	s1 =	sshrl.u32 s1, $0x2  }
0xbf: {  	s3 =	sand.u32 $0x4000, s31;
	s1 =	sadd.s32 s1, s30  }
0xc0: {  	s0 =	sor.u32 s3, s0;
	s1 =	sshll.u32 s1, $0x11  }
0xc1: {  	s0 =	sor.u32 s1, s0  }
0xc2: {  	s0 =	sadd.s32 $0x8F2B, s0  }
0xc3: {  	[sflag:s0] =	ssyncadd.remote.s32 $0x1  }
0xc4: {  	_ =	sfence.sel $0xFFFF  }
0xc5: {  	[dreg:$0x0] =	wrdreg $0xFFFFFFFF;
	(pc) =	sbr.abs _section_cstart, $3  }
0xc6: {  	[dreg:$0x1] =	wrdreg $0xFFFFFFFF  }
0xc7: {  	_ =	task.clear_ibuf [dreg:s10], $0x2FFFF;
	_ =	strace $0x9FFFFFFF  }
0xc8: {  	(tm) =	ssettm $0x7FFFFFFF  }
0xc9: {  	_ =	shalt  }
tec
execute0_lowered:
.L_overlay_start_1:
0x0: {  	(tag) =	ssettag $0x1  }
0x1: {  	s1 =	rddreg [dreg:$0x0]  }
0x2: {  	s0 =	rddreg [dreg:$0x1]  }
0x3: {  	s4 =	rddreg [dreg:$0x4];
	s2 =	simm.s32 $0x0  }
0x4: {  	s18 =	stileid.u32;
	s3 =	srdreg.scid;
	s28 =	simm.s32 $0x80  }
0x5: {  	s29 =	simm.s32 $0x2;
	s30 =	simm.s32 $0x1;
	s31 =	simm.s32 $0x0  }
0x6: {  	[smem:$0x7FF] =	sst s2;
	s2 =	sadd.s32 $0xC00, s0;
	s5 =	sshll.u32 s18, $0xB  }
0x7: {  	s3 =	sand.u32 $0x1, s3;
	s6 =	sshll.u32 s18, $0x1;
	s12 =	smul.u32 $0x34, s18  }
0x8: {  	s10 =	sshll.u32 s18, $0x5;
	s19 =	smul.u32 $0xD4000, s18;
	_ =	strace $0x80000047  }
0x9: {  	s5 =	sadd.s32 s5, s0;
	s8 =	ssub.s32 $0x2, s3;
	s6 =	sor.u32 s3, s6  }
0xa: {  	s0 =	sadd.s32 $0x15C00, s0;
	s22 =	sshll.u32 s3, $0x9;
	s13 =	smul.u32 $0x1A, s3  }
0xb: {  	s25 =	sshll.u32 s3, $0x6;
	s9 =	sshrl.u32 s8, $0x1;
	s7 =	smul.u32 $0x1A, s6  }
0xc: {  	s23 =	sor.u32 s10, s22;
	s10 =	sadd.s32 s0, s25;
	s22 =	smul.u32 $0x6A000, s3  }
0xd: {  	s3 =	sshll.u32 s3, $0xD;
	s25 =	simm.s32 $0x1E220;
	s6 =	ssub.s32 s8, s9  }
0xe: {  	s8 =	sadd.s32 $0xDC00, s5;
	s5 =	sshrl.u32 s23, $0x3;
	s12 =	sadd.s32 s13, s12  }
0xf: {  	s23 =	sor.u32 $0x18000, s3;
	s24 =	sshrl.u32 s7, $0x5;
	s9 =	sadd.s32 s0, s5  }
0x10: {  	s20 =	sshll.u32 s7, $0x6;
	s15 =	sand.u32 $0x7E0, s12;
	s18 =	smax.u32 s6, $0x1  }
0x11: {  	s16 =	sadd.s32 $0x1, s24;
	s5 =	sand.u32 $0xF800, s20;
	s21 =	ssub.s32 s15, s12  }
0x12: {  	s24 =	simm.s32 $0x1E020;
	s11 =	sshll.u32 s16, $0x5;
	s13 =	sadd.s32 s2, s5  }
0x13: {  	s16 =	sshll.u32 s16, $0xB;
	s5 =	sadd.s32 $0x20, s21;
	s26 =	ssub.s32 s11, s7  }
0x14: {  	s16 =	sand.u32 $0x1FFFF800, s16;
	s17 =	smov.u32 s5;
	p0 =	slt.s32 s26, $0x1A  }
0x15: {  	s11 =	smov.u32 s26;
	s16 =	sadd.s32 s2, s16;
	s2 =	sadd.s32 s22, s19  }
.Ltmp0:
0x16: {  	v1 =	vmov s23;
	s22 =	simm.s32 $0x3;
	p1 =	sgt.s32 s26, $0x19;
	(pc) =	sbr.rel .LBB2_1-.Ltmp0, $4  }
0x17: {  	s11 =	simm.s32 @!p0 $0x1A;
	p0 =	sgt.s32 s5, $0x1;
	s19 =	sor.u32 $0x340, s2  }
0x18: {  	s14 =	sadd.s32 s7, s11;
	s17 =	simm.s32 @!p0 $0x1;
	p0 =	slt.s32 s5, $0x1A  }
0x19: {  	v0 =	vlaneseq.u32;
	s15 =	ssub.s32 $0x1A, s11;
	s17 =	smin.u32 s17, $0x1A;
	s5 =	simm.s32 @!p0 $0x1A  }
0x1a: {  	v2 =	vmul.u32 $0x350, v0;
	p0 =	slt.s32 s26, $0x1;
	s26 =	simm.s32 $0x1E230;
	s21 =	sadd.s32 s5, s12  }
.LBB2_25:
0x1b: {  	s31 =	sadd.s32 $0x1, s31  }
0x1c: {  	_ =	swait.ge [sflag:s29], $0x4000;
	p2 =	sne.s32 s31, s18  }
.Ltmp1:
0x1d: {  	[sflag:s29] =	ssyncset.done $0x0;
	(pc) =	sbr.rel @!p2 .LBB2_26-.Ltmp1, $4  }
0x1e: {  	[sflag:s29] =	ssyncadd.s32 $0xFFFFC000  }
0x1f: {  	_ =	swait.ge [sflag:s29], $0x4000  }
0x20: {  	[sflag:s29] =	ssyncset.done $0x0  }
0x21: {  	[sflag:s29] =	ssyncadd.s32 $0xFFFFC000  }
.LBB2_1:
0x22: {  	s0 =	simm.s32 $0x0;
	s2 =	simm.s32 $0x18000  }
0x23: {  	[tilespmem:s2], [sflag:$0x3] =	stream.linear.gather [hbm4b:s8+s0], $0x4000, $0x38;
	[tilespmem:$0x1E240] =	vst v63  }
0x24: {  	_ =	swait.ge [sflag:s22], $0x4000  }
0x25: {  	[sflag:s22] =	ssyncset.done $0x0  }
0x26: {  	s23 =	simm.s32 $0x0;
	[sflag:s22] =	ssyncadd.s32 $0xFFFFC000  }
0x27: {  	v5 =	vld [tilespmem:s23+$0x18000]  }
0x28: {  	v3 =	vimm.f32 $0.0e+00;
	v4 =	vimm.f32 $0.0e+00;
	s0 =	simm.s32 $0x40  }
.LBB2_2:
0x29: {  	p2 =	sne.s32 s0, $0xFFC0  }
.Ltmp2:
0x2a: {  	_ = 	snop;
	(pc) =	sbr.rel @p2 .LBB2_2-.Ltmp2, $4  }
0x2b: {  	_ = 	snop  }
0x2c: {  	s2 =	sshra.s32 s0, $0x2;
	s0 =	sadd.s32 $0x40, s0;
	v3 =	vadd.f32 v5, v3;
	v6 =	vmul.f32 v5, v5  }
0x2d: {  	v5 =	vld [tilespmem:s2+$0x18000]  }
0x2e: {  	v4 =	vadd.f32 v6, v4  }
0x2f: {  	_ =	sdelay $0x2  }
0x30: {  	v6 =	vmul.f32 v5, v5  }
0x31: {  	v3 =	vadd.f32 v5, v3  }
0x32: {  	v4 =	vadd.f32 v6, v4  }
0x33: {  	[tilespmem:$0x1E000] =	vst v3  }
0x34: {  	s0 =	simm.s32 $0x0;
	s2 =	simm.s32 $0x1E000;
	[tilespmem:$0x1E010] =	vst v4  }
0x35: {  	[hbm4b:s9+s0] =	stream.linear.scatter [tilespmem:s2], [sflag:$0x3], $0x20, $0x38;
	[tilespmem:$0x1E240] =	vst v63  }
0x36: {  	_ =	swait.ge [sflag:s22], $0x20  }
0x37: {  	[sflag:s22] =	ssyncset.done $0x0  }
0x38: {  	[sflag:s22] =	ssyncadd.s32 $0xFFFFFFE0  }
0x39: {  	[bflag:$0x0] =	sbarrier.arrive $0xFFFF  }
0x3a: {  	[tilespmem:s24], [sflag:$0x3] =	stream.linear.gather [hbm4b:s10+s0], $0x200, $0x38;
	[tilespmem:$0x1E240] =	vst v63  }
0x3b: {  	_ =	swait.ge [sflag:s22], $0x200  }
0x3c: {  	[sflag:s22] =	ssyncset.done $0x0  }
0x3d: {  	[sflag:s22] =	ssyncadd.s32 $0xFFFFFE00  }
0x3e: {  	v3 =	vld [tilespmem:$0x1E020]  }
0x3f: {  	v4 =	vld [tilespmem:$0x1E030]  }
0x40: {  	v5 =	vld [tilespmem:$0x1E040]  }
0x41: {  	v6 =	vld [tilespmem:$0x1E050]  }
0x42: {  	v7 =	vld [tilespmem:$0x1E060]  }
0x43: {  	v8 =	vld [tilespmem:$0x1E070];
	v3 =	vadd.f32 $0.0e+00, v3  }
0x44: {  	v9 =	vld [tilespmem:$0x1E080]  }
0x45: {  	v10 =	vld [tilespmem:$0x1E0A0];
	v4 =	vadd.f32 $0.0e+00, v4;
	v3 =	vadd.f32 v5, v3  }
0x46: {  	v5 =	vld [tilespmem:$0x1E090]  }
0x47: {  	v4 =	vadd.f32 v6, v4;
	v6 =	vld [tilespmem:$0x1E0B0];
	v3 =	vadd.f32 v7, v3  }
0x48: {  	v7 =	vld [tilespmem:$0x1E0C0]  }
0x49: {  	v53 =	vld [tilespmem:$0x1E0D0];
	v4 =	vadd.f32 v8, v4;
	v3 =	vadd.f32 v9, v3  }
0x4a: {  	v54 =	vld [tilespmem:$0x1E0E0]  }
0x4b: {  	v55 =	vld [tilespmem:$0x1E100];
	v4 =	vadd.f32 v5, v4;
	v3 =	vadd.f32 v10, v3  }
0x4c: {  	v5 =	vld [tilespmem:$0x1E0F0]  }
0x4d: {  	v4 =	vadd.f32 v6, v4;
	v6 =	vld [tilespmem:$0x1E110];
	v3 =	vadd.f32 v7, v3  }
0x4e: {  	v7 =	vld [tilespmem:$0x1E120]  }
0x4f: {  	v56 =	vld [tilespmem:$0x1E130];
	v4 =	vadd.f32 v53, v4;
	v3 =	vadd.f32 v54, v3  }
0x50: {  	v57 =	vld [tilespmem:$0x1E140]  }
0x51: {  	v58 =	vld [tilespmem:$0x1E160];
	v4 =	vadd.f32 v5, v4;
	v3 =	vadd.f32 v55, v3  }
0x52: {  	v5 =	vld [tilespmem:$0x1E150]  }
0x53: {  	v4 =	vadd.f32 v6, v4;
	v6 =	vld [tilespmem:$0x1E170];
	v3 =	vadd.f32 v7, v3  }
0x54: {  	v7 =	vld [tilespmem:$0x1E180]  }
0x55: {  	v59 =	vld [tilespmem:$0x1E190];
	v4 =	vadd.f32 v56, v4;
	v3 =	vadd.f32 v57, v3  }
0x56: {  	v60 =	vld [tilespmem:$0x1E1A0]  }
0x57: {  	v61 =	vld [tilespmem:$0x1E1C0];
	v4 =	vadd.f32 v5, v4;
	v3 =	vadd.f32 v58, v3  }
0x58: {  	v5 =	vld [tilespmem:$0x1E1B0]  }
0x59: {  	v4 =	vadd.f32 v6, v4;
	v6 =	vld [tilespmem:$0x1E1D0];
	v3 =	vadd.f32 v7, v3  }
0x5a: {  	v7 =	vld [tilespmem:$0x1E1E0]  }
0x5b: {  	v62 =	vld [tilespmem:$0x1E1F0];
	v4 =	vadd.f32 v59, v4;
	v3 =	vadd.f32 v60, v3  }
0x5c: {  	v63 =	vld [tilespmem:$0x1E200]  }
0x5d: {  	v4 =	vadd.f32 v5, v4;
	v3 =	vadd.f32 v61, v3  }
0x5e: {  	v5 =	vld [tilespmem:$0x1E210]  }
0x5f: {  	v4 =	vadd.f32 v6, v4;
	v3 =	vadd.f32 v7, v3;
	_ =	sdelay $0x1  }
0x60: {  	v4 =	vadd.f32 v62, v4;
	v3 =	vadd.f32 v63, v3;
	_ =	sdelay $0x1  }
0x61: {  	v4 =	vadd.f32 v5, v4;
	v5 =	vmul.f32 $6.103515630e-05, v3;
	_ =	sdelay $0x1  }
0x62: {  	v3 =	vmul.f32 $6.103515630e-05, v4;
	v4 =	vmul.f32 v5, v5;
	_ =	sdelay $0x1  }
0x63: {  	v3 =	vsub.f32 v3, v4;
	_ =	sdelay $0x1  }
0x64: {  	v3 =	vadd.f32 $9.999999740e-06, v3;
	_ =	sdelay $0x1  }
0x65: {  	v4 =	vshrl.u32 v3, $0x1;
	v3 =	vmul.f32 $5.000000000e-01, v3  }
0x66: {  	v4 =	vsub.s32 $0x5F3759DF, v4  }
0x67: {  	v6 =	vmul.f32 v4, v3;
	_ =	sdelay $0x1  }
0x68: {  	v6 =	vmul.f32 v4, v6;
	_ =	sdelay $0x1  }
0x69: {  	v6 =	vsub.f32 $1.500000000e+00, v6;
	_ =	sdelay $0x1  }
0x6a: {  	v4 =	vmul.f32 v4, v6;
	_ =	sdelay $0x1  }
0x6b: {  	v6 =	vmul.f32 v4, v3;
	_ =	sdelay $0x1  }
0x6c: {  	v6 =	vmul.f32 v6, v4;
	_ =	sdelay $0x1  }
0x6d: {  	v6 =	vsub.f32 $1.500000000e+00, v6;
	_ =	sdelay $0x1  }
0x6e: {  	v4 =	vmul.f32 v6, v4;
	_ =	sdelay $0x1  }
0x6f: {  	v6 =	vmul.f32 v4, v3  }
0x70: {  	s20 =	rddreg [dreg:$0x2]  }
0x71: {  	[tilespmem:s25], [sflag:$0x3] =	stream.linear.gather [hbm4b:s20+s0], $0x10, $0x38;
	v6 =	vmul.f32 v6, v4;
	[tilespmem:$0x1E240] =	vst v63  }
0x72: {  	_ =	swait.ge [sflag:s22], $0x10  }
0x73: {  	[sflag:s22] =	ssyncset.done $0x0;
	v6 =	vsub.f32 $1.500000000e+00, v6  }
0x74: {  	[sflag:s22] =	ssyncadd.s32 $0xFFFFFFF0  }
0x75: {  	s23 =	rddreg [dreg:$0x3];
	v4 =	vmul.f32 v6, v4  }
0x76: {  	[tilespmem:s26], [sflag:$0x3] =	stream.linear.gather [hbm4b:s23+s0], $0x10, $0x38;
	[tilespmem:$0x1E240] =	vst v63  }
0x77: {  	_ =	swait.ge [sflag:s22], $0x10;
	v3 =	vmul.f32 v4, v3  }
0x78: {  	[sflag:s22] =	ssyncset.done $0x0  }
0x79: {  	[sflag:s22] =	ssyncadd.s32 $0xFFFFFFF0;
	v3 =	vmul.f32 v3, v4  }
0x7a: {  	v6 =	vld [tilespmem:$0x1E220]  }
0x7b: {  	v3 =	vsub.f32 $1.500000000e+00, v3;
	_ =	sdelay $0x1  }
0x7c: {  	v3 =	vmul.f32 v3, v4  }
0x7d: {  	v4 =	vld [tilespmem:$0x1E230]  }
0x7e: {  	v3 =	vmul.f32 v3, v6;
	_ =	sdelay $0x1  }
0x7f: {  	v5 =	vmul.f32 v3, v5;
	_ =	sdelay $0x1  }
0x80: {  	s3 =	smov.u32 s19;
	s2 =	simm.s32 $0x40;
	s0 =	simm.s32 $0x0;
	v4 =	vsub.f32 v4, v5;
	v5 =	vor.u32 s19, v0  }
.LBB2_4:
0x81: {  	p2 =	sne.s32 s2, $0x7FC0;
	v6 =	vld.idx.msk [tilespmem:v1+s0+$0x0 ss:$0x1], $0xffff;
	[tilespmem:s0+$0x8000] =	vst v5;
	_ =	sdelay $0x5  }
.Ltmp3:
0x82: {  	v5 =	vmul.f32 v6, v3;
	(pc) =	sbr.rel @p2 .LBB2_4-.Ltmp3, $4  }
0x83: {  	_ = 	snop  }
0x84: {  	v6 =	vadd.f32 v5, v4  }
0x85: {  	s3 =	sadd.s32 $0x350, s3  }
0x86: {  	v5 =	vor.u32 s3, v0;
	[tilespmem:s0+$0x1C000] =	vst v6;
	s0 =	sshra.s32 s2, $0x2;
	s2 =	sadd.s32 $0x40, s2  }
0x87: {  	_ =	sdelay $0x3  }
0x88: {  	v6 =	vld.idx.msk [tilespmem:v1+s0+$0x0 ss:$0x1], $0xffff;
	_ =	sdelay $0x4  }
0x89: {  	v3 =	vmul.f32 v6, v3;
	_ =	sdelay $0x1  }
0x8a: {  	v3 =	vadd.f32 v3, v4  }
0x8b: {  	[tilespmem:s0+$0x8000] =	vst v5  }
0x8c: {  	s2 =	simm.s32 $0x1C000;
	s3 =	simm.s32 $0x8000;
	[tilespmem:s0+$0x1C000] =	vst v3;
	s0 =	simm.s32 $0x200  }
.LBB2_6:
0x8d: {  	[hbm4b:s4+s28] =	stream.indirect.scatter [tilespmem:s2], [sflag:$0x2], $0x1, s3, s28, $0xb8;
	[tilespmem:$0x1E240] =	vst v63  }
0x8e: {  	s2 =	smov.u32 s0;
	p2 =	sne.s32 s0, $0x7E00  }
.Ltmp4:
0x8f: {  	s0 =	sadd.s32 $0x200, s0;
	(pc) =	sbr.rel @p2 .LBB2_6-.Ltmp4, $3  }
0x90: {  	_ =	sdelay $0x1  }
0x91: {  	s3 =	sshra.s32 s2, $0x2  }
0x92: {  	s2 =	sadd.s32 $0x1C000, s3;
	s3 =	sadd.s32 $0x8000, s3  }
.Ltmp5:
0x93: {  	(pc) =	sbr.rel @p0 .LBB2_17-.Ltmp5, $4  }
0x94: {  	[hbm4b:s4+s28] =	stream.indirect.scatter [tilespmem:s2], [sflag:$0x2], $0x1, s3, s28, $0xb8;
	[tilespmem:$0x1E240] =	vst v63  }
0x95: {  	_ =	swait.ge [sflag:s29], $0x2000  }
0x96: {  	[sflag:s29] =	ssyncset.done $0x0  }
0x97: {  	[sflag:s29] =	ssyncadd.s32 $0xFFFFE000  }
0x98: {  	s0 =	simm.s32 $0x0  }
0x99: {  	[tilespmem:s0], [sflag:$0x3] =	stream.linear.gather [hbm4b:s13+s0], $0x4000, $0x38;
	[tilespmem:$0x1E240] =	vst v63  }
0x9a: {  	_ =	swait.ge [sflag:s22], $0x4000  }
0x9b: {  	[sflag:s22] =	ssyncset.done $0x0  }
0x9c: {  	p2 =	por $0x0, $0x0;
	s20 =	smov.u32 s12;
	[sflag:s22] =	ssyncadd.s32 $0xFFFFC000  }
.LBB2_9:
0x9d: {  	p3 =	slt.u32 s0, $0x2  }
0x9e: {  	s2 =	simm.s32 @!p3 $0x2  }
0x9f: {  	_ =	swait.ge @!p3 [sflag:s2], $0x4000  }
0xa0: {  	s3 =	simm.s32 $0x1;
	[sflag:s2] =	ssyncset.done @!p3 $0x0  }
0xa1: {  	s5 =	simm.s32 $0x0;
	s3 =	simm.s32 @!p2 $0x0;
	[sflag:s2] =	ssyncadd.s32 @!p3 $0xFFFFC000  }
0xa2: {  	s3 =	sshll.u32 s3, $0xE;
	v5 =	vld [tilespmem:s5+$0x0]  }
0xa3: {  	s6 =	sadd.s32 s7, s0;
	s2 =	sor.u32 $0x8000, s3  }
0xa4: {  	s6 =	smul.u32 $0x186A0, s6;
	v3 =	vmov s2;
	_ =	sdelay $0x1  }
0xa5: {  	v4 =	vmov s6  }
0xa6: {  	v5 =	vadd.s32 v4, v5  }
0xa7: {  	[tilespmem:s5+$0x4000] =	vst v5;
	v5 =	vadd.s32 s20, v2  }
0xa8: {  	s6 =	simm.s32 $0x10;
	[tilespmem:v3+s5+$0x0 ss:$0x1] =	vst.idx.msk $0xffff, v5  }
0xa9: {  	s23 =	simm.s32 $0x80;
	s3 =	sor.u32 $0x10000, s3;
	s5 =	smov.u32 s20;
	v5 =	vld [tilespmem:s6+$0x0]  }
.LBB2_10:
0xaa: {  	p3 =	sne.s32 s23, $0xFFC0;
	_ =	sdelay $0x2  }
.Ltmp6:
0xab: {  	(pc) =	sbr.rel @p3 .LBB2_10-.Ltmp6, $4  }
0xac: {  	s5 =	sadd.s32 $0x3500, s5;
	v5 =	vadd.s32 v4, v5  }
0xad: {  	[tilespmem:s6+$0x4000] =	vst v5;
	v5 =	vadd.s32 s5, v2  }
0xae: {  	[tilespmem:v3+s6+$0x0 ss:$0x1] =	vst.idx.msk $0xffff, v5;
	s6 =	sshra.s32 s23, $0x2  }
0xaf: {  	s23 =	sadd.s32 $0x40, s23;
	v5 =	vld [tilespmem:s6+$0x0]  }
0xb0: {  	_ =	sdelay $0x3  }
0xb1: {  	s5 =	sadd.s32 $0x3500, s5;
	v4 =	vadd.s32 v4, v5  }
0xb2: {  	v63 =	vadd.s32 s5, v2;
	[tilespmem:s6+$0x4000] =	vst v4  }
0xb3: {  	s23 =	simm.s32 $0x4000;
	s5 =	simm.s32 $0x200;
	[tilespmem:v3+s6+$0x0 ss:$0x1] =	vst.idx.msk $0xffff, v63;
	s6 =	sadd.s32 $0x0, s3  }
.LBB2_12:
0xb4: {  	[tilespmem:s6], [sflag:$0x1] =	stream.indirect.gather [hbm4b:s1+s28], $0x1, s23, s28, $0xb8;
	[tilespmem:$0x1E240] =	vst v63  }
0xb5: {  	s6 =	smov.u32 s5;
	p3 =	sne.s32 s5, $0xFE00  }
.Ltmp7:
0xb6: {  	s5 =	sadd.s32 $0x200, s5;
	(pc) =	sbr.rel @p3 .LBB2_12-.Ltmp7, $3  }
0xb7: {  	_ =	sdelay $0x1  }
0xb8: {  	s23 =	sshra.s32 s6, $0x2  }
0xb9: {  	s6 =	sadd.s32 s23, s3;
	s23 =	sadd.s32 $0x4000, s23  }
0xba: {  	[tilespmem:s6], [sflag:$0x1] =	stream.indirect.gather [hbm4b:s1+s28], $0x1, s23, s28, $0xb8;
	[tilespmem:$0x1E240] =	vst v63  }
0xbb: {  	_ =	swait.ge [sflag:s30], $0x4000  }
0xbc: {  	s5 =	simm.s32 $0x200;
	[sflag:s30] =	ssyncset.done $0x0  }
0xbd: {  	s6 =	sadd.s32 $0x0, s3;
	s23 =	sadd.s32 $0x0, s2;
	[sflag:s30] =	ssyncadd.s32 $0xFFFFC000  }
.LBB2_14:
0xbe: {  	[hbm4b:s4+s28] =	stream.indirect.scatter [tilespmem:s6], [sflag:$0x2], $0x1, s23, s28, $0xb8;
	[tilespmem:$0x1E240] =	vst v63  }
0xbf: {  	s6 =	smov.u32 s5;
	p3 =	sne.s32 s5, $0xFE00  }
.Ltmp8:
0xc0: {  	s5 =	sadd.s32 $0x200, s5;
	(pc) =	sbr.rel @p3 .LBB2_14-.Ltmp8, $3  }
0xc1: {  	_ =	sdelay $0x1  }
0xc2: {  	s23 =	sshra.s32 s6, $0x2  }
0xc3: {  	s6 =	sadd.s32 s23, s3;
	s23 =	sadd.s32 s23, s2  }
0xc4: {  	s0 =	sadd.s32 $0x1, s0  }
0xc5: {  	p3 =	sne.s32 s0, s17  }
.Ltmp9:
0xc6: {  	_ = 	snop;
	(pc) =	sbr.rel @p3 .LBB2_9-.Ltmp9, $3  }
0xc7: {  	_ =	sdelay $0x1  }
0xc8: {  	[hbm4b:s4+s28] =	stream.indirect.scatter [tilespmem:s6], [sflag:$0x2], $0x1, s23, s28, $0xb8;
	[tilespmem:$0x1E240] =	vst v63  }
0xc9: {  	s20 =	sadd.s32 $0x1, s20;
	p2 =	por !p2, !p2  }
.Ltmp10:
0xca: {  	(pc) =	sbr.rel @p1 .LBB2_25-.Ltmp10, $1  }
0xcb: {  	_ =	sdelay $0x3  }
.LBB2_17:
0xcc: {  	s0 =	simm.s32 $0x0  }
0xcd: {  	[tilespmem:s0], [sflag:$0x3] =	stream.linear.gather [hbm4b:s16+s0], $0x4000, $0x38;
	[tilespmem:$0x1E240] =	vst v63  }
0xce: {  	_ =	swait.ge [sflag:s22], $0x4000  }
0xcf: {  	[sflag:s22] =	ssyncset.done $0x0  }
0xd0: {  	s5 =	smov.u32 s21;
	[sflag:s22] =	ssyncadd.s32 $0xFFFFC000  }
.LBB2_18:
0xd1: {  	s2 =	sadd.s32 s11, s0  }
0xd2: {  	p2 =	slt.s32 s2, $0x2  }
0xd3: {  	s3 =	sshrl.u32 s2, $0x1F;
	s20 =	simm.s32 @!p2 $0x2  }
0xd4: {  	s3 =	sadd.s32 s3, s2;
	_ =	swait.ge @!p2 [sflag:s20], $0x4000  }
0xd5: {  	s3 =	sand.u32 $0x3FFFE, s3;
	[sflag:s20] =	ssyncset.done @!p2 $0x0  }
0xd6: {  	s23 =	simm.s32 $0x0;
	s2 =	ssub.s32 s2, s3;
	[sflag:s20] =	ssyncadd.s32 @!p2 $0xFFFFC000  }
0xd7: {  	s3 =	sshll.u32 s2, $0xE;
	v5 =	vld [tilespmem:s23+$0x0]  }
0xd8: {  	s6 =	sadd.s32 s0, s14;
	s2 =	sadd.s32 $0x8000, s3  }
0xd9: {  	s6 =	smul.u32 $0x186A0, s6;
	v3 =	vmov s2;
	_ =	sdelay $0x1  }
0xda: {  	v4 =	vmov s6  }
0xdb: {  	v5 =	vadd.s32 v4, v5  }
0xdc: {  	[tilespmem:s23+$0x4000] =	vst v5;
	v5 =	vadd.s32 s5, v2  }
0xdd: {  	s6 =	simm.s32 $0x10;
	[tilespmem:v3+s23+$0x0 ss:$0x1] =	vst.idx.msk $0xffff, v5  }
0xde: {  	s20 =	smov.u32 s5;
	s23 =	simm.s32 $0x80;
	v5 =	vld [tilespmem:s6+$0x0]  }
.LBB2_19:
0xdf: {  	p2 =	seq.s32 s23, $0xFFC0;
	_ =	sdelay $0x2  }
.Ltmp11:
0xe0: {  	(pc) =	sbr.rel @!p2 .LBB2_19-.Ltmp11, $4  }
0xe1: {  	s20 =	sadd.s32 $0x3500, s20;
	v5 =	vadd.s32 v4, v5  }
0xe2: {  	[tilespmem:s6+$0x4000] =	vst v5;
	v5 =	vadd.s32 s20, v2  }
0xe3: {  	[tilespmem:v3+s6+$0x0 ss:$0x1] =	vst.idx.msk $0xffff, v5;
	s6 =	sshra.s32 s23, $0x2  }
0xe4: {  	s23 =	sadd.s32 $0x40, s23;
	v5 =	vld [tilespmem:s6+$0x0]  }
0xe5: {  	_ =	sdelay $0x3  }
0xe6: {  	s20 =	sadd.s32 $0x3500, s20;
	v4 =	vadd.s32 v4, v5  }
0xe7: {  	s3 =	sadd.s32 $0x10000, s3;
	v63 =	vadd.s32 s20, v2;
	[tilespmem:s6+$0x4000] =	vst v4  }
0xe8: {  	s23 =	simm.s32 $0x4000;
	s20 =	sadd.s32 $0x0, s3;
	[tilespmem:v3+s6+$0x0 ss:$0x1] =	vst.idx.msk $0xffff, v63;
	s6 =	simm.s32 $0x200  }
.LBB2_21:
0xe9: {  	[tilespmem:s20], [sflag:$0x1] =	stream.indirect.gather [hbm4b:s1+s28], $0x1, s23, s28, $0xb8;
	[tilespmem:$0x1E240] =	vst v63  }
0xea: {  	s20 =	smov.u32 s6;
	p2 =	sne.s32 s6, $0xFE00  }
.Ltmp12:
0xeb: {  	s6 =	sadd.s32 $0x200, s6;
	(pc) =	sbr.rel @p2 .LBB2_21-.Ltmp12, $3  }
0xec: {  	_ =	sdelay $0x1  }
0xed: {  	s23 =	sshra.s32 s20, $0x2  }
0xee: {  	s20 =	sadd.s32 s23, s3;
	s23 =	sadd.s32 $0x4000, s23  }
0xef: {  	[tilespmem:s20], [sflag:$0x1] =	stream.indirect.gather [hbm4b:s1+s28], $0x1, s23, s28, $0xb8;
	[tilespmem:$0x1E240] =	vst v63  }
0xf0: {  	_ =	swait.ge [sflag:s30], $0x4000  }
0xf1: {  	s6 =	simm.s32 $0x200;
	[sflag:s30] =	ssyncset.done $0x0  }
0xf2: {  	s20 =	sadd.s32 $0x0, s3;
	s23 =	sadd.s32 $0x0, s2;
	[sflag:s30] =	ssyncadd.s32 $0xFFFFC000  }
.LBB2_23:
0xf3: {  	[hbm4b:s4+s28] =	stream.indirect.scatter [tilespmem:s20], [sflag:$0x2], $0x1, s23, s28, $0xb8;
	[tilespmem:$0x1E240] =	vst v63  }
0xf4: {  	s20 =	smov.u32 s6;
	p2 =	sne.s32 s6, $0xFE00  }
.Ltmp13:
0xf5: {  	s6 =	sadd.s32 $0x200, s6;
	(pc) =	sbr.rel @p2 .LBB2_23-.Ltmp13, $3  }
0xf6: {  	_ =	sdelay $0x1  }
0xf7: {  	s23 =	sshra.s32 s20, $0x2  }
0xf8: {  	s20 =	sadd.s32 s23, s3;
	s23 =	sadd.s32 s23, s2  }
0xf9: {  	s0 =	sadd.s32 $0x1, s0  }
0xfa: {  	p2 =	slt.u32 s0, s15  }
.Ltmp14:
0xfb: {  	_ = 	snop;
	(pc) =	sbr.rel @p2 .LBB2_18-.Ltmp14, $4  }
.Ltmp15:
0xfc: {  	_ = 	snop;
	(pc) =	sbr.rel @!p2 .LBB2_25-.Ltmp15, $4  }
0xfd: {  	_ = 	snop  }
0xfe: {  	[hbm4b:s4+s28] =	stream.indirect.scatter [tilespmem:s20], [sflag:$0x2], $0x1, s23, s28, $0xb8;
	[tilespmem:$0x1E240] =	vst v63  }
0xff: {  	s5 =	sadd.s32 $0x1, s5  }
0x100: {  	_ = 	snop  }
.LBB2_26:
0x101: {  	_ =	sfence.sel $0x180000  }
0x102: {  	[bflag:$0x0] =	sbarrier.arrive $0xFFFF  }
0x103: {  	_ =	strace $0x90000047  }
0x104: {  	s0 =	stileid.u32;
	[bflag:$0x2] =	sbarrier.arrive $0xFFFF  }
0x105: {  	p0 =	sne.s32 s0, $0x0;
	s0 =	rddreg [dreg:$0x5]  }
0x106: {  	s0 =	sadd.s32 @!p0 $0x100000, s0  }
0x107: {  	[sflag:s0] =	ssyncadd.tile.s32 @!p0 $0x1;
	_ =	shalt  }
.Lfunc_end2:
_tile_overlayer_lowered:
.L_overlay_start_2:
0x108: {  	(tag) =	ssettag $0x2  }
0x109: {  	s0 =	rddreg [dreg:$0x0];
	s2 =	stileid.u32  }
0x10a: {  	s1 =	rddreg [dreg:$0x1];
	p0 =	sne.s32 s2, $0x0  }
0x10b: {  	s3 =	rddreg [dreg:$0x2];
	[bflag:$0x3] =	sbarrier.arrive $0xFFFF;
	s2 =	simm.s32 @!p0 $0x1C03  }
0x10c: {  	[timem:s3], [sflag:s2] =	dma.local @!p0 [hbm:s0], s1  }
0x10d: {  	s0 =	simm.s32 @!p0 $0x3  }
0x10e: {  	_ =	swait.ge @!p0 [sflag:s0], s1  }
0x10f: {  	s1 =	ssub.s32 @!p0 $0x0, s1;
	[sflag:s0] =	ssyncset.done @!p0 $0x0  }
0x110: {  	[sflag:s0] =	ssyncadd.s32 @!p0 s1  }
0x111: {  	[bflag:$0x3] =	sbarrier.arrive $0xFFFF  }
0x112: {  	_ =	shalt  }

// kernel: sparse-core-data-format-call.cloned.1.call-start
scs
called_computation_lowered:
.L_overlay_start_0:
0x0: {  	s2 =	sld [smem:$0x3FD9]  }
0x1: {  	s3 =	sld [smem:$0x3FFE];
	_ =	sdelay $0x1  }
0x2: {  	s1 =	srdreg.scid  }
0x3: {  	s0 =	sand.u32 $0x1, s1  }
0x4: {  	s18 =	sshll.u32 s0, $0xA;
	s2 =	sadd.s32 s3, s2  }
0x5: {  	s2 =	sadd.s32 s2, s18  }
0x6: {  	[smem:$0x3FC3] =	sst s2  }
0x7: {  	_ = 	snop  }
0x8: {  	s2 =	sld [smem:$0x3FD0];
	(tm) =	ssettm $0x1  }
0x9: {  	s19 =	sld [smem:$0x3FFB];
	_ =	sdelay $0x3  }
0xa: {  	_ =	strace s19  }
0xb: {  	s3 =	sld [smem:$0x3FFC];
	_ =	sdelay $0x3  }
0xc: {  	_ =	strace s3  }
0xd: {  	s3 =	sld [smem:$0x3FFD];
	_ =	sdelay $0x3  }
0xe: {  	_ =	strace s3  }
0xf: {  	_ =	strace $0x8FFFFFFF  }
0x10: {  	s20 =	sld [smem:$0x3FDB];
	_ =	sdelay $0x1  }
0x11: {  	s4 =	simm.s32 $_scs_section_size  }
0x12: {  	s5 =	simm.s32 $_size__tile_overlayer_lowered;
	s6 =	simm.s32 $_tile_overlayer_lowered  }
0x13: {  	s23 =	simm.s32 $0x1BFF;
	s22 =	sshll.u32 s6, $0x1;
	s3 =	sadd.s32 s4, s20  }
0x14: {  	s7 =	simm.s32 $0x0;
	s21 =	sshll.u32 s5, $0x1;
	s5 =	sadd.s32 s22, s3  }
0x15: {  	[timem:s7], [sflag:s23] =	dma.local [hbm:s5], s21  }
0x16: {  	_ =	swait.ge [sflag:s23], s21  }
0x17: {  	s4 =	ssub.s32 $0x0, s21;
	[sflag:s23] =	ssyncset.done $0x0  }
0x18: {  	[sflag:s23] =	ssyncadd.s32 s4;
	_ =	sdelay $0x1  }
0x19: {  	s24 =	simm.s32 $0x1B8B  }
0x1a: {  	_ =	swait.ge [sflag:s24], $0x1  }
0x1b: {  	[sflag:s24] =	ssyncset.done $0x0  }
0x1c: {  	s26 =	simm.s32 $0x1B8E;
	s25 =	sld [smem:$0x3FFE];
	[sflag:s24] =	ssyncadd.s32 $0xFFFFFFFF  }
0x1d: {  	s27 =	simm.s32 $execute0_lowered;
	[smem:$0x3FD2] =	sst s26  }
0x1e: {  	s5 =	sshll.u32 s27, $0x1;
	_ =	strace $0x80000049;
	[dreg:$0x1] =	wrdreg $0xFFFFFFFF  }
0x1f: {  	s28 =	simm.s32 $_size_execute0_lowered;
	s3 =	sadd.s32 s3, s5;
	[dreg:$0x0] =	wrdreg $0x0  }
0x20: {  	s5 =	sshll.u32 s28, $0x1;
	[dreg:$0x2] =	wrdreg s3  }
0x21: {  	[dreg:$0x3] =	wrdreg s5  }
0x22: {  	[dreg:$0x4] =	wrdreg $0xC0  }
0x23: {  	_ =	task [dreg:s7], $0x5FFFF  }
0x24: {  	[dreg:$0x1] =	wrdreg $0xFFFFFFFF  }
0x25: {  	[dreg:$0x0] =	wrdreg $0x60  }
0x26: {  	[dreg:$0x2] =	wrdreg s25  }
0x27: {  	[dreg:$0x3] =	wrdreg s2  }
0x28: {  	[dreg:$0x4] =	wrdreg $0x9  }
0x29: {  	_ =	task.clear_ibuf [dreg:s7], $0x5FFFF;
	_ =	strace $0x90000049  }
0x2a: {  	s29 =	simm.s32 $0x9;
	_ =	strace $0x8000004B  }
0x2b: {  	_ =	swait.ge [sflag:s29], $0x1  }
0x2c: {  	[sflag:s29] =	ssyncadd.s32 $0xFFFFFFFF  }
0x2d: {  	_ =	strace $0x9000004B  }
0x2e: {  	_ =	sfence  }
0x2f: {  	s30 =	sld [smem:$0x0];
	_ =	sdelay $0x2  }
0x30: {  	s31 =	sshll.u32 s1, $0xD;
	s1 =	sshrl.u32 s1, $0x2  }
0x31: {  	s3 =	sand.u32 $0x4000, s31;
	s1 =	sadd.s32 s1, s30  }
0x32: {  	s0 =	sor.u32 s3, s0;
	s1 =	sshll.u32 s1, $0x11  }
0x33: {  	s0 =	sor.u32 s1, s0  }
0x34: {  	s0 =	sadd.s32 $0x8F2B, s0  }
0x35: {  	[sflag:s0] =	ssyncadd.remote.s32 $0x1  }
0x36: {  	_ =	sfence.sel $0xFFFF  }
0x37: {  	[dreg:$0x0] =	wrdreg $0xFFFFFFFF;
	(pc) =	sbr.abs _section_cstart, $3  }
0x38: {  	[dreg:$0x1] =	wrdreg $0xFFFFFFFF  }
0x39: {  	_ =	task.clear_ibuf [dreg:s7], $0x2FFFF;
	_ =	strace $0x9FFFFFFF  }
0x3a: {  	(tm) =	ssettm $0x7FFFFFFF  }
0x3b: {  	_ =	shalt  }
tec
execute0_lowered:
.L_overlay_start_1:
0x0: {  	(tag) =	ssettag $0x1  }
0x1: {  	s0 =	srdreg.scid  }
0x2: {  	s1 =	sshll.u32 s0, $0x4  }
0x3: {  	s6 =	rddreg [dreg:$0x0];
	s0 =	stileid.u32;
	s1 =	sand.u32 $0x10, s1  }
0x4: {  	s3 =	rddreg [dreg:$0x1];
	s1 =	sor.u32 s0, s1  }
0x5: {  	s5 =	simm.s32 $0x1;
	s31 =	simm.s32 $0x2;
	s2 =	sshll.u32 s1, $0x7  }
0x6: {  	s15 =	simm.s32 $0x0;
	s8 =	simm.s32 $0x20000;
	s4 =	ssub.s32 $0x4000, s2  }
0x7: {  	s14 =	simm.s32 $0x0;
	s9 =	simm.s32 $0x0;
	s30 =	sand.u32 $0xF80, s4  }
0x8: {  	s10 =	simm.s32 $0x0;
	s11 =	simm.s32 $0x0;
	p0 =	sne.s32 s30, $0x0  }
.Ltmp0:
0x9: {  	s7 =	sshrl.u32 s4, $0xC;
	s5 =	simm.s32 @!p0 $0x0;
	(pc) =	sbr.rel .LBB1_1-.Ltmp0, $4  }
0xa: {  	s13 =	simm.s32 $0x0;
	s1 =	rddreg [dreg:$0x2];
	s5 =	sadd.s32 s5, s7  }
0xb: {  	_ =	strace $0x8000004A;
	s4 =	simm.s32 $0x1;
	s5 =	smul.u32 $0x7, s5  }
0xc: {  	s6 =	sadd.s32 $0xC00, s6;
	s12 =	smov.u32 s2;
	[sflag:s4] =	ssyncpa.u1 $0x0  }
0xd: {  	[sflag:s31] =	ssyncpa.u1 $0x0;
	p0 =	por $0x0, $0x0;
	s7 =	sadd.s32 $0x1, s5  }
.LBB1_4:
0xe: {  	s20 =	sshra.s32 s20, $0x2  }
0xf: {  	s28 =	sand.u32 $0x78, s10;
	s21 =	sshll.u32 s9, $0xE;
	s22 =	sshll.u32 s10, $0x3  }
0x10: {  	s24 =	sshll.u32 s9, $0x7;
	p1 =	sgt.s32 s9, $0x2D0;
	s30 =	sshra.s32 s9, $0x1F  }
0x11: {  	s26 =	sshra.s32 s10, $0x1F;
	s19 =	sadd.s32 s20, s19;
	s21 =	sand.u32 $0xFFFE0000, s21  }
0x12: {  	v5 =	vld [tilespmem:s17+$0xFFFFFFD0];
	[tilespmem:s18+$0x2040 ss:$0x81] =	vst.msk $0xffff, v4;
	s23 =	sand.u32 $0xFFFFFC00, s22;
	s29 =	sand.u32 $0x380, s24;
	s22 =	sand.u32 $0x3C00, s22  }
0x13: {  	v58 =	vld [tilespmem:s17+$0xFFFFFFE0];
	[tilespmem:s18+$0x2850 ss:$0x81] =	vst.msk $0xffff, v3;
	s21 =	sadd.s32 s23, s21;
	s20 =	sor.u32 s28, s22;
	s22 =	smov.u32 s9  }
0x14: {  	v59 =	vld [tilespmem:s17+$0xFFFFFFF0];
	[tilespmem:s18+$0x3060 ss:$0x81] =	vst.msk $0xffff, v2;
	s24 =	sand.u32 s30, s9;
	s21 =	sshrl.u32 s21, $0xE;
	s22 =	simm.s32 @!p1 $0x2D0  }
0x15: {  	v60 =	vld [tilespmem:s17+$0x0];
	[tilespmem:s18+$0x0 ss:$0x81] =	vst.msk $0xffff, v1;
	p1 =	sgt.s32 s10, $0x3F80;
	s31 =	ssub.s32 s22, s24;
	s22 =	smov.u32 s10  }
0x16: {  	v61 =	vld [tilespmem:s17+$0x10];
	[tilespmem:s19+$0x3870 ss:$0x81] =	vst.msk $0xffff, v0;
	s25 =	smulhi.u32 $0x4D4874, s21;
	s24 =	sand.u32 s26, s10;
	s22 =	simm.s32 @!p1 $0x3F80  }
0x17: {  	v62 =	vld [tilespmem:s17+$0x20];
	s20 =	sor.u32 s29, s20;
	[tilespmem:s19+$0x810 ss:$0x81] =	vst.msk $0xffff, v5;
	s27 =	sadd.s32 $0xFFFFFD30, s31;
	s22 =	ssub.s32 s22, s24  }
0x18: {  	v63 =	vld [tilespmem:s17+$0xFFFFFFC0];
	[tilespmem:s19+$0x1020 ss:$0x81] =	vst.msk $0xffff, v58;
	s18 =	ssub.s32 $0x350, s31;
	s28 =	smul.u32 $0x350, s25;
	s29 =	sadd.s32 $0xFFFFC080, s22  }
0x19: {  	[tilespmem:s19+$0x1830 ss:$0x81] =	vst.msk $0xffff, v59;
	p1 =	sgt.s32 s27, $0x7F;
	s22 =	ssub.s32 $0x4000, s22;
	p2 =	sgt.s32 s29, $0x7F  }
0x1a: {  	s30 =	sand.u32 $0x7, s10;
	[tilespmem:s19+$0x2040 ss:$0x81] =	vst.msk $0xffff, v60;
	s18 =	simm.s32 @p1 $0x0;
	s22 =	simm.s32 @p2 $0x0  }
0x1b: {  	s20 =	sshrl.u32 s20, $0x3;
	[tilespmem:s19+$0x2850 ss:$0x81] =	vst.msk $0xffff, v61;
	s17 =	ssub.s32 s21, s28;
	s18 =	smul.u32 s22, s18  }
0x1c: {  	[tilespmem:s19+$0x3060 ss:$0x81] =	vst.msk $0xffff, v62;
	s20 =	sadd.s32 s3, s20;
	s21 =	sshll.u32 s30, $0x12;
	s17 =	sshll.u32 s17, $0xB  }
0x1d: {  	[tilespmem:s19+$0x0 ss:$0x81] =	vst.msk $0xffff, v63;
	s31 =	sor.u32 $0x400, s21;
	s17 =	sadd.s32 s17, s20;
	s18 =	sand.u32 $0x3FFFFFFF, s18  }
0x1e: {  	[hbm4b:s17+s31] =	stream.strided.scatter [tilespmem:s16], [sflag:$0x2], s18, s8, s31, $0x20;
	[tilespmem:$0x10100] =	vst v63  }
.LBB1_5:
0x1f: {  	p1 =	slt.u32 s13, $0x2  }
0x20: {  	s17 =	smov.u32 s15;
	p2 =	sgt.s32 @!p1 s15, $0x2D0;
	s16 =	sshra.s32 @!p1 s15, $0x1F  }
0x21: {  	p3 =	sgt.s32 @!p1 s14, $0x3F80;
	s18 =	sshra.s32 @!p1 s14, $0x1F;
	p2 =	por !p2, p1  }
0x22: {  	s15 =	sand.u32 @!p1 s16, s15;
	p3 =	por !p3, p1;
	s16 =	smov.u32 s14  }
0x23: {  	s14 =	sand.u32 @!p1 s18, s14;
	s17 =	simm.s32 @p2 $0x2D0;
	s16 =	simm.s32 @p3 $0x3F80  }
0x24: {  	s15 =	ssub.s32 @!p1 s17, s15;
	s14 =	ssub.s32 @!p1 s16, s14  }
0x25: {  	s18 =	smov.u32 s12;
	s16 =	sadd.s32 @!p1 $0xFFFFFD30, s15;
	s17 =	sadd.s32 @!p1 $0xFFFFC080, s14  }
0x26: {  	s15 =	ssub.s32 @!p1 $0x350, s15;
	p2 =	sgt.s32 @!p1 s16, $0x7F;
	p3 =	sgt.s32 @!p1 s17, $0x7F  }
0x27: {  	s14 =	ssub.s32 @!p1 $0x4000, s14;
	p2 =	por !p2, p1;
	p3 =	por !p3, p1  }
0x28: {  	s16 =	sadd.s32 $0x80, s11;
	s15 =	simm.s32 @!p2 $0x0;
	s14 =	simm.s32 @!p3 $0x0  }
0x29: {  	p2 =	sgt.s32 s16, $0x34F;
	s14 =	smul.u32 @!p1 s14, s15;
	s15 =	sadd.s32 $0x1000, s12  }
0x2a: {  	s18 =	smov.u32 @p2 s15  }
0x2b: {  	s16 =	simm.s32 @p2 $0x0;
	p2 =	sgt.s32 s18, $0x3FFF  }
0x2c: {  	s18 =	smov.u32 @p2 s2;
	p2 =	sne.s32 s13, s7  }
.Ltmp1:
0x2d: {  	p0 =	por !p0, !p0;
	s17 =	simm.s32 @!p1 $0x2;
	(pc) =	sbr.rel @!p2 .LBB1_6-.Ltmp1, $4  }
0x2e: {  	s15 =	smov.u32 s9;
	s9 =	smov.u32 s11;
	s14 =	sand.u32 @!p1 $0x3FFFFFFF, s14  }
0x2f: {  	s11 =	smov.u32 s16;
	_ =	swait.ge @!p1 [sflag:s17], s14;
	s19 =	ssub.s32 @!p1 $0x0, s14  }
0x30: {  	s14 =	smov.u32 s10;
	s13 =	sadd.s32 $0x1, s13;
	[sflag:s17] =	ssyncset.done @!p1 $0x0  }
0x31: {  	s10 =	smov.u32 s12;
	s12 =	smov.u32 s18;
	[sflag:s17] =	ssyncadd.s32 @!p1 s19  }
.LBB1_1:
0x32: {  	p1 =	sge.u32 s13, s5  }
0x33: {  	s16 =	sshrl.u32 @!p1 s12, $0x3  }
0x34: {  	s17 =	sshll.u32 @!p1 s11, $0x3;
	s16 =	smul.u32 @!p1 $0x1C00, s16  }
0x35: {  	s18 =	sshll.u32 @!p1 s12, $0x7;
	s17 =	sand.u32 @!p1 $0xFFFFFC00, s17  }
0x36: {  	s16 =	sadd.s32 @!p1 s16, s17;
	s17 =	sand.u32 @!p1 $0x380, s18  }
0x37: {  	s16 =	sor.u32 @!p1 s17, s16  }
0x38: {  	s17 =	sshrl.u32 @!p1 s16, $0x7  }
0x39: {  	s17 =	smulhi.u32 @!p1 $0x24924925, s17;
	_ =	sdelay $0x1  }
0x3a: {  	s18 =	sand.u32 @!p1 $0x7F, s11;
	s19 =	smul.u32 @!p1 $0x380, s17  }
0x3b: {  	s31 =	sadd.s32 $0xFFFFFFFF, s13;
	s16 =	sor.u32 @!p1 s18, s16;
	s18 =	sxor.u32 @!p1 $0xFFFFFFFF, s13  }
0x3c: {  	s18 =	sshll.u32 @!p1 s18, $0xE;
	s17 =	sand.u32 @!p1 $0x3FFF, s17;
	s16 =	ssub.s32 @!p1 s16, s19  }
0x3d: {  	s17 =	smul.u32 @!p1 $0x70, s17;
	s19 =	sshrl.u32 @!p1 s16, $0x3;
	s16 =	sand.u32 @!p1 $0x7, s16  }
0x3e: {  	s18 =	sand.u32 @!p1 $0x4000, s18;
	s19 =	sadd.s32 @!p1 s6, s19;
	s16 =	sshll.u32 @!p1 s16, $0x12  }
0x3f: {  	s17 =	sadd.s32 @!p1 s17, s19;
	s16 =	sor.u32 @!p1 $0x400, s16;
	s19 =	simm.s32 @!p1 $0x1C00  }
0x40: {  	[tilespmem:s18], [sflag:$0x1] =	stream.strided.gather @!p1 [hbm4b:s17+s16], $0x4000, s19, s16, $0x38;
	[tilespmem:$0x10100] =	vst v63  }
0x41: {  	p1 =	sge.u32 s31, s5  }
.Ltmp2:
0x42: {  	_ = 	snop;
	(pc) =	sbr.rel @p1 .LBB1_5-.Ltmp2, $1  }
0x43: {  	_ =	sdelay $0x3  }
0x44: {  	s16 =	simm.s32 $0x1  }
0x45: {  	_ =	swait.ge [sflag:s4], $0x4000;
	s16 =	simm.s32 @!p0 $0x0  }
0x46: {  	[sflag:s4] =	ssyncset.done $0x0;
	s17 =	sshll.u32 s16, $0xE  }
0x47: {  	[sflag:s4] =	ssyncadd.s32 $0xFFFFC000;
	s17 =	sor.u32 $0x40, s17  }
0x48: {  	s16 =	smul.u32 $0x10200, s16;
	v0 =	vld [tilespmem:s17+$0x30]  }
0x49: {  	v1 =	vld [tilespmem:s17+$0xFFFFFFD0]  }
0x4a: {  	s16 =	sshrl.u32 s16, $0x2;
	v5 =	vld [tilespmem:s17+$0xFFFFFFE0]  }
0x4b: {  	v6 =	vld [tilespmem:s17+$0xFFFFFFF0];
	s19 =	sor.u32 $0x8000, s16  }
0x4c: {  	s31 =	sand.u32 $0x1, s13;
	v4 =	vld [tilespmem:s17+$0x0];
	s18 =	sadd.s32 $0x0, s19  }
0x4d: {  	v3 =	vld [tilespmem:s17+$0x10];
	s16 =	smul.u32 $0x10200, s31;
	[tilespmem:s18+$0x3870 ss:$0x81] =	vst.msk $0xffff, v0  }
0x4e: {  	v2 =	vld [tilespmem:s17+$0x20];
	[tilespmem:s18+$0x810 ss:$0x81] =	vst.msk $0xffff, v1  }
0x4f: {  	s16 =	sshrl.u32 s16, $0x2;
	v1 =	vld [tilespmem:s17+$0xFFFFFFC0];
	[tilespmem:s18+$0x1020 ss:$0x81] =	vst.msk $0xffff, v5;
	s17 =	sadd.s32 $0x80, s17  }
0x50: {  	s20 =	simm.s32 $0x4;
	s21 =	simm.s32 $0x8;
	s16 =	sor.u32 $0x8000, s16;
	[tilespmem:s18+$0x1830 ss:$0x81] =	vst.msk $0xffff, v6;
	v0 =	vld [tilespmem:s17+$0x30]  }
.LBB1_3:
0x51: {  	p1 =	sne.s32 s21, $0x1FC;
	v5 =	vld [tilespmem:s17+$0xFFFFFFD0];
	[tilespmem:s18+$0x2040 ss:$0x81] =	vst.msk $0xffff, v4  }
0x52: {  	v6 =	vld [tilespmem:s17+$0xFFFFFFE0];
	[tilespmem:s18+$0x2850 ss:$0x81] =	vst.msk $0xffff, v3  }
0x53: {  	s22 =	sshra.s32 s20, $0x2;
	s20 =	smov.u32 s21;
	v7 =	vld [tilespmem:s17+$0xFFFFFFF0];
	[tilespmem:s18+$0x3060 ss:$0x81] =	vst.msk $0xffff, v2  }
.Ltmp3:
0x54: {  	v4 =	vld [tilespmem:s17+$0x0];
	[tilespmem:s18+$0x0 ss:$0x81] =	vst.msk $0xffff, v1;
	s18 =	sadd.s32 s22, s19;
	(pc) =	sbr.rel @p1 .LBB1_3-.Ltmp3, $4  }
0x55: {  	v3 =	vld [tilespmem:s17+$0x10];
	[tilespmem:s18+$0x3870 ss:$0x81] =	vst.msk $0xffff, v0  }
0x56: {  	[tilespmem:s18+$0x810 ss:$0x81] =	vst.msk $0xffff, v5;
	v2 =	vld [tilespmem:s17+$0x20]  }
0x57: {  	v1 =	vld [tilespmem:s17+$0xFFFFFFC0];
	[tilespmem:s18+$0x1020 ss:$0x81] =	vst.msk $0xffff, v6;
	s17 =	sadd.s32 $0x80, s17  }
0x58: {  	s21 =	sadd.s32 $0x4, s21;
	v0 =	vld [tilespmem:s17+$0x30];
	[tilespmem:s18+$0x1830 ss:$0x81] =	vst.msk $0xffff, v7  }
.Ltmp4:
0x59: {  	_ = 	snop;
	(pc) =	sbr.rel .LBB1_4-.Ltmp4, $1  }
0x5a: {  	_ =	sdelay $0x3  }
.LBB1_6:
0x5b: {  	_ =	sfence.sel $0x180000  }
0x5c: {  	s2 =	simm.s32 $0x1;
	[bflag:$0x0] =	sbarrier.arrive $0xFFFF  }
0x5d: {  	s31 =	simm.s32 $0x2;
	[sflag:s2] =	ssyncpa.u1 $0x1  }
0x5e: {  	[sflag:s31] =	ssyncpa.u1 $0x1  }
0x5f: {  	p0 =	sne.s32 s0, $0x0;
	_ =	strace $0x9000004A  }
0x60: {  	s0 =	sadd.s32 @!p0 $0x100000, s1;
	[bflag:$0x2] =	sbarrier.arrive $0xFFFF  }
0x61: {  	[sflag:s0] =	ssyncadd.tile.s32 @!p0 $0x1;
	_ =	shalt  }
.Lfunc_end1:
_tile_overlayer_lowered:
.L_overlay_start_2:
0x62: {  	(tag) =	ssettag $0x2  }
0x63: {  	s0 =	rddreg [dreg:$0x0];
	s2 =	stileid.u32  }
0x64: {  	s1 =	rddreg [dreg:$0x1];
	p0 =	sne.s32 s2, $0x0  }
0x65: {  	s3 =	rddreg [dreg:$0x2];
	[bflag:$0x3] =	sbarrier.arrive $0xFFFF;
	s2 =	simm.s32 @!p0 $0x1C01  }
0x66: {  	[timem:s3], [sflag:s2] =	dma.local @!p0 [hbm:s0], s1  }
0x67: {  	s0 =	simm.s32 @!p0 $0x1  }
0x68: {  	_ =	swait.ge @!p0 [sflag:s0], s1  }
0x69: {  	s1 =	ssub.s32 @!p0 $0x0, s1;
	[sflag:s0] =	ssyncset.done @!p0 $0x0  }
0x6a: {  	[sflag:s0] =	ssyncadd.s32 @!p0 s1  }
0x6b: {  	[bflag:$0x3] =	sbarrier.arrive $0xFFFF  }
0x6c: {  	_ =	shalt  }

</sc_bundles>
